<compile_context>
chip_gen: v7x
topology: tpu7x:2x2x1
jax: 0.10.2.dev20260603
libtpu: 0.0.44.dev20260713+nightly
codegen_flags: <defaults>
</compile_context>

<pallas_src>
import functools

import jax
import jax.numpy as jnp
from jax import lax
from jax.experimental import pallas as pl
from jax.experimental.pallas import tpu as pltpu
from jax.experimental.pallas import tpu_sc as plsc

NUM_CLASSES = 100
THRESH = 0.05
B = 16384
R1 = 2048
BIGI32 = 2**30
KEY_BASE = 0x3C000000


def _stage1_body(x_ref, maxp_ref, lab_ref, vk_ref, kv_ref):
    step = pl.program_id(0)
    x = x_ref[...]
    m = jnp.max(x, axis=1, keepdims=True)
    e = jnp.exp(x - m)
    s = jnp.sum(e, axis=1, keepdims=True)
    p = e / s
    maxp = jnp.max(p, axis=1, keepdims=True)
    iotaf = jax.lax.broadcasted_iota(jnp.int32, p.shape, 1).astype(jnp.float32)
    labf = jnp.min(jnp.where(p >= maxp, iotaf, jnp.float32(1e9)),
                   axis=1, keepdims=True)
    lab = labf.astype(jnp.int32)
    conf = maxp >= THRESH
    vk = jnp.where(conf, jax.lax.bitcast_convert_type(maxp, jnp.int32),
                   jnp.int32(-1))
    maxp_ref[...] = maxp
    lab_ref[...] = lab
    vk_ref[...] = vk
    lane = jax.lax.broadcasted_iota(jnp.int32, (R1, 128), 1)
    onehot = (lab == lane) & conf
    cnt = jnp.sum(onehot.astype(jnp.int32), axis=0, keepdims=True)

    @pl.when(step == 0)
    def _():
        kv_ref[...] = cnt

    @pl.when(step > 0)
    def _():
        kv_ref[...] += cnt

    @pl.when(step == pl.num_programs(0) - 1)
    def _():
        counts = kv_ref[...]
        lane1 = jax.lax.broadcasted_iota(jnp.int32, (1, 128), 1)
        valid = lane1 < NUM_CLASSES
        mn = jnp.min(jnp.where(valid, counts, BIGI32))
        min_count = jnp.maximum(jnp.int32(1), mn)
        kv_ref[...] = jnp.minimum(min_count, counts)


_SC_MESH = plsc.VectorSubcoreMesh(core_axis_name="c", subcore_axis_name="s")
CHUNK = B // 16
NV = CHUNK // 16


@functools.partial(
    pl.kernel,
    mesh=_SC_MESH,
    compiler_params=pltpu.CompilerParams(needs_layout_passes=False),
    out_type=jax.ShapeDtypeStruct((B,), jnp.int32),
    scratch_types=[
        pltpu.VMEM((CHUNK,), jnp.int32),
        pltpu.VMEM((CHUNK,), jnp.int32),
        pltpu.VMEM((CHUNK,), jnp.int32),
        pltpu.VMEM((2048,), jnp.int32),
        pltpu.VMEM((128,), jnp.int32),
        pltpu.VMEM((128,), jnp.int32),
        pltpu.VMEM((16,), jnp.int32),
        pltpu.VMEM((16,), jnp.int32),
        pltpu.VMEM((16, 256), jnp.int32),
        pltpu.VMEM((256,), jnp.int32),
        pltpu.VMEM((16,), jnp.int32),
        pltpu.VMEM_SHARED((128, 256), jnp.int32),
        pltpu.SemaphoreType.DMA,
        pltpu.VMEM_SHARED((128,), jnp.int32),
        pltpu.VMEM_SHARED((128,), jnp.int32),
    ],
)
def _sc_topk(vk_hbm, lab_hbm, kv_hbm, out_hbm,
             vk_v, lab_v, sel_v, hist_v, pref_v, ustar_v, kk_v, prefsl_v,
             acc_v, hsum_v, flagsl_v, shist_sh, dmasem, spref_sh, tflag_sh):
    cid = lax.axis_index("c")
    sid = lax.axis_index("s")

    @pl.when(cid == 0)
    def _():
        base0 = sid * CHUNK
        pltpu.sync_copy(vk_hbm.at[pl.ds(base0, CHUNK)], vk_v)
        pltpu.sync_copy(lab_hbm.at[pl.ds(base0, CHUNK)], lab_v)
        zeros16 = jnp.zeros((16,), jnp.int32)
        ones16 = jnp.ones((16,), jnp.int32)
        iota16 = lax.iota(jnp.int32, 16)

        @pl.when(sid < 8)
        def _():
            pltpu.sync_copy(kv_hbm.at[pl.ds(sid * 16, 16)], kk_v)

        def clearhist(i, _):
            hist_v[pl.ds(i * 16, 16)] = zeros16
            return 0

        def initg(g, _):
            pref_v[pl.ds(g * 16, 16)] = zeros16
            return 0

        lax.fori_loop(0, 8, initg, 0)
        lax.fori_loop(0, 128, clearhist, 0)

        def aggregate_and_scan(ascending, vround=None):
            copies = [
                pltpu.async_copy(hist_v.at[pl.ds(g * 256, 256)],
                                 shist_sh.at[g * 16 + sid], dmasem)
                for g in range(8)
            ]
            for cp in copies:
                cp.wait()
            lax.fori_loop(0, 128, clearhist, 0)
            plsc.subcore_barrier()

            @pl.when(sid < 8)
            def _():
                g = sid
                pltpu.sync_copy(shist_sh.at[pl.ds(g * 16, 16), :], acc_v)

                def sumcol(c, _):
                    def sumt(t, a):
                        return a + acc_v[t, pl.ds(c * 16, 16)]

                    hsum_v[pl.ds(c * 16, 16)] = lax.fori_loop(
                        0, 16, sumt, zeros16)
                    return 0

                lax.fori_loop(0, 16, sumcol, 0)
                kkv = kk_v[...]
                prefg = pref_v[pl.ds(g * 16, 16)]

                def sumb(b, acc):
                    return acc + hsum_v[pl.ds(b * 16, 16)]

                S = lax.fori_loop(0, 16, sumb, zeros16)
                T = kkv if ascending else S - kkv + 1

                def pick(b, carry):
                    C, prevm, bstar, Aat, Cat = carry
                    A = hsum_v[pl.ds(b * 16, 16)]
                    C = C + A
                    m = (C >= T).astype(jnp.int32)
                    d = m - prevm
                    return (C, m, bstar + b * d, Aat + A * d, Cat + C * d)

                init = (zeros16, zeros16, zeros16, zeros16, zeros16)
                _, _, bstar, Aat, Cat = lax.fori_loop(0, 16, pick, init)
                if ascending:
                    kknew = kkv - (Cat - Aat)
                else:
                    kknew = kkv - (S - Cat)
                kk_v[...] = kknew
                prefsl_v[...] = prefg * 16 + bstar
                pltpu.sync_copy(prefsl_v, spref_sh.at[pl.ds(g * 16, 16)])
                if vround is not None:
                    @pl.when(vround == 6)
                    def _():
                        flagsl_v[...] = (kknew < Aat).astype(jnp.int32)
                        pltpu.sync_copy(
                            flagsl_v, tflag_sh.at[pl.ds(g * 16, 16)])

            plsc.subcore_barrier()
            pltpu.sync_copy(spref_sh, pref_v)

        def value_round(r, _):
            s = 24 - 4 * r

            def samp(v, _):
                base = v * 16
                vk16 = vk_v[pl.ds(base, 16)]
                lb16 = lab_v[pl.ds(base, 16)]
                u = vk16 - KEY_BASE
                gate = vk16 >= 0
                pref = plsc.load_gather(pref_v, [lb16])
                active = gate & (lax.shift_right_arithmetic(u, s + 4) == pref)
                binv = lax.shift_right_arithmetic(u, s) & 15
                slot = ((lax.shift_right_logical(lb16, 4) * 256)
                        + binv * 16 + (lb16 & 15))
                plsc.addupdate_scatter(hist_v, [slot], ones16, mask=active)
                return 0

            lax.fori_loop(0, NV, samp, 0)
            aggregate_and_scan(ascending=False, vround=r)
            return 0

        lax.fori_loop(0, 7, value_round, 0)

        def stash(g, _):
            ustar_v[pl.ds(g * 16, 16)] = pref_v[pl.ds(g * 16, 16)]
            pref_v[pl.ds(g * 16, 16)] = zeros16
            return 0

        lax.fori_loop(0, 8, stash, 0)

        def index_round(r, _):
            s = 12 - 4 * r

            def samp(v, _):
                base = v * 16
                vk16 = vk_v[pl.ds(base, 16)]
                lb16 = lab_v[pl.ds(base, 16)]
                u = vk16 - KEY_BASE
                gate = vk16 >= 0
                us = plsc.load_gather(ustar_v, [lb16])
                ip = plsc.load_gather(pref_v, [lb16])
                idxv = base0 + base + iota16
                active = (gate & (u == us)
                          & (lax.shift_right_arithmetic(idxv, s + 4) == ip))
                binv = lax.shift_right_arithmetic(idxv, s) & 15
                slot = ((lax.shift_right_logical(lb16, 4) * 256)
                        + binv * 16 + (lb16 & 15))
                plsc.addupdate_scatter(hist_v, [slot], ones16, mask=active)
                return 0

            lax.fori_loop(0, NV, samp, 0)
            aggregate_and_scan(ascending=True)
            return 0

        pltpu.sync_copy(tflag_sh, hsum_v.at[pl.ds(0, 128)])

        def orrow(i, a):
            return a | hsum_v[pl.ds(i * 16, 16)]

        any_tie = lax.reduce_max(lax.fori_loop(0, 8, orrow, zeros16),
                                 axes=(0,))

        def run_index(_):
            lax.fori_loop(0, 4, index_round, 0)
            return 0

        def skip_index(_):
            def setbig(g2, _):
                pref_v[pl.ds(g2 * 16, 16)] = jnp.broadcast_to(
                    jnp.int32(1 << 20), (16,))
                return 0

            lax.fori_loop(0, 8, setbig, 0)
            return 0

        lax.cond(any_tie > 0, run_index, skip_index, 0)

        def fin(v, _):
            base = v * 16
            vk16 = vk_v[pl.ds(base, 16)]
            lb16 = lab_v[pl.ds(base, 16)]
            u = vk16 - KEY_BASE
            gate = vk16 >= 0
            us = plsc.load_gather(ustar_v, [lb16])
            ms = plsc.load_gather(pref_v, [lb16])
            idxv = base0 + base + iota16
            sel = gate & ((u > us) | ((u == us) & (idxv <= ms)))
            sel_v[pl.ds(base, 16)] = sel.astype(jnp.int32)
            return 0

        lax.fori_loop(0, NV, fin, 0)
        pltpu.sync_copy(sel_v, out_hbm.at[pl.ds(base0, CHUNK)])


def kernel(logits):
    maxp, lab, vk, kvec = pl.pallas_call(
        _stage1_body,
        grid=(B // R1,),
        in_specs=[pl.BlockSpec((R1, NUM_CLASSES), lambda i: (i, 0))],
        out_specs=[
            pl.BlockSpec((R1, 1), lambda i: (i, 0)),
            pl.BlockSpec((R1, 1), lambda i: (i, 0)),
            pl.BlockSpec((R1, 1), lambda i: (i, 0)),
            pl.BlockSpec((1, 128), lambda i: (0, 0)),
        ],
        out_shape=[
            jax.ShapeDtypeStruct((B, 1), jnp.float32),
            jax.ShapeDtypeStruct((B, 1), jnp.int32),
            jax.ShapeDtypeStruct((B, 1), jnp.int32),
            jax.ShapeDtypeStruct((1, 128), jnp.int32),
        ],
    )(logits)

    sel = _sc_topk(jnp.reshape(vk, (B,)), jnp.reshape(lab, (B,)),
                   jnp.reshape(kvec, (128,)))

    pseudo_labels = jnp.reshape(lab, (B,))
    confidence_mask = sel.astype(bool)
    max_probs = jnp.reshape(maxp, (B,))
    return (pseudo_labels, confidence_mask, max_probs)

# --- scband reference (transcript-rebuilt; emitter-appended) ---
"""Pipeline reference for scband-pseudo-label-miner-33028298506870 (READ-ONLY COPY).

The authoritative reference and input builder live on the scoring server;
editing this copy changes nothing except your own understanding.
"""

import jax, jax.numpy as jnp
import numpy as np

NUM_CLASSES = 100
INITIAL_THRESHOLD = 0.05
USE_CLASS_BALANCE = True
BATCH = 16384


def setup_inputs(seed: int = 0) -> dict:
    key = jax.random.key(seed)
    logits = jax.random.normal(key, (BATCH, NUM_CLASSES), dtype=jnp.float32)
    return {"logits": logits}


def _apply_class_balance(pseudo_labels, confidence_mask, max_probs):
    balanced_mask = jnp.zeros_like(confidence_mask)
    one_hot = jax.nn.one_hot(pseudo_labels, NUM_CLASSES, dtype=jnp.int32)
    class_sample_counts = jnp.sum(
        one_hot * confidence_mask[:, None].astype(jnp.int32), axis=0
    )
    min_count = jnp.maximum(1, jnp.min(class_sample_counts))
    positions = jnp.arange(pseudo_labels.shape[0])
    for c in range(NUM_CLASSES):
        class_mask = (pseudo_labels == c) & confidence_mask
        class_probs = jnp.where(class_mask, max_probs, jnp.float32(-1.0))
        cnt = class_sample_counts[c]
        k = jnp.minimum(min_count, cnt)
        order = jnp.argsort(-class_probs)
        ranks = jnp.zeros_like(positions).at[order].set(positions)
        balanced_mask = balanced_mask | (ranks < k)
    return balanced_mask


def reference(logits):
    # mine_pseudo_labels(logits) with threshold = initial_threshold
    probs = jax.nn.softmax(logits, axis=-1)
    max_probs = jnp.max(probs, axis=-1)
    pseudo_labels = jnp.argmax(probs, axis=-1)
    confidence_mask = max_probs >= INITIAL_THRESHOLD
    if USE_CLASS_BALANCE:
        has_confident = confidence_mask.sum() > 0
        balanced = _apply_class_balance(pseudo_labels, confidence_mask, max_probs)
        confidence_mask = jnp.where(has_confident, balanced, confidence_mask)
    return (pseudo_labels, confidence_mask, max_probs)

if __name__ == "__main__":
    import jax
    _d = setup_inputs()
    print(jax.jit(kernel)(*tuple(_d.values())))

</pallas_src>

<mosaic_0001>
#map = affine_map<(d0, d1) -> (0)>
module attributes {stable_mosaic.version = 14 : i64} {
  func.func @_sc_topk(%arg0: i32, %arg1: i32, %arg2: memref<16384xi32, #tpu.memory_space<hbm>>, %arg3: memref<16384xi32, #tpu.memory_space<hbm>>, %arg4: memref<128xi32, #tpu.memory_space<hbm>>, %arg5: memref<16384xi32, #tpu.memory_space<hbm>>, %arg6: memref<1024xi32, #tpu.memory_space<vmem>>, %arg7: memref<1024xi32, #tpu.memory_space<vmem>>, %arg8: memref<1024xi32, #tpu.memory_space<vmem>>, %arg9: memref<2048xi32, #tpu.memory_space<vmem>>, %arg10: memref<128xi32, #tpu.memory_space<vmem>>, %arg11: memref<128xi32, #tpu.memory_space<vmem>>, %arg12: memref<16xi32, #tpu.memory_space<vmem>>, %arg13: memref<16xi32, #tpu.memory_space<vmem>>, %arg14: memref<16x256xi32, #tpu.memory_space<vmem>>, %arg15: memref<256xi32, #tpu.memory_space<vmem>>, %arg16: memref<16xi32, #tpu.memory_space<vmem>>, %arg17: memref<128x256xi32, #tpu.memory_space<vmem_shared>>, %arg18: memref<!tpu.dma_semaphore, #tpu.memory_space<semaphore_mem>>, %arg19: memref<128xi32, #tpu.memory_space<vmem_shared>>, %arg20: memref<128xi32, #tpu.memory_space<vmem_shared>>) attributes {dimension_semantics = [#tpu.dimension_semantics<core_parallel>, #tpu.dimension_semantics<subcore_parallel>], iteration_bounds = array<i64: 2, 16>, scalar_prefetch = 0 : i64, scratch_operands = 15 : i64, tpu.core_type = #tpu.core_type<sc_vector_subcore>, window_params = [{transform_indices = #map}, {transform_indices = #map}, {transform_indices = #map}, {transform_indices = #map}]} {
    %eq3A = arith.constant 0 : i32
    %eq3A_0 = arith.cmpi eq, %arg0, %eq3A : i32
    %convert_element_type3A = arith.extui %eq3A_0 : i1 to i32
    %cond3A = arith.constant 0 : i32
    %cond3A_1 = arith.cmpi ne, %convert_element_type3A, %cond3A : i32
    scf.if %cond3A_1 {
      %mul3A = arith.constant 1024 : i32
      %mul3A_2 = arith.muli %arg1, %mul3A : i32
      "tpu.region"() ({
        %run_scoped3A = tpu.sem_alloc : memref<!tpu.dma_semaphore, #tpu.memory_space<semaphore_mem>>
        %dma_start3A = tpu.memref_slice %arg2[%mul3A_2] : memref<16384xi32, #tpu.memory_space<hbm>> -> memref<1024xi32, #tpu.memory_space<hbm>>
        %dma_start3A_63 = tpu.memref_slice %arg2[%mul3A_2] : memref<16384xi32, #tpu.memory_space<hbm>> -> memref<1024xi32, #tpu.memory_space<hbm>>
        tpu.enqueue_dma source(%dma_start3A_63 : memref<1024xi32, #tpu.memory_space<hbm>>) target(%arg6 : memref<1024xi32, #tpu.memory_space<vmem>>) target_semaphore(%run_scoped3A : memref<!tpu.dma_semaphore, #tpu.memory_space<semaphore_mem>>)
        %dma_wait3A = tpu.memref_slice %arg2[%mul3A_2] : memref<16384xi32, #tpu.memory_space<hbm>> -> memref<1024xi32, #tpu.memory_space<hbm>>
        %dma_wait3A_64 = tpu.memref_slice %arg2[%mul3A_2] : memref<16384xi32, #tpu.memory_space<hbm>> -> memref<1024xi32, #tpu.memory_space<hbm>>
        tpu.wait_dma2 semaphore(%run_scoped3A : memref<!tpu.dma_semaphore, #tpu.memory_space<semaphore_mem>>) src(%dma_wait3A_64 : memref<1024xi32, #tpu.memory_space<hbm>>) dst(%arg6 : memref<1024xi32, #tpu.memory_space<vmem>>)
        tpu.yield
      }) : () -> ()
      "tpu.region"() ({
        %run_scoped3A = tpu.sem_alloc : memref<!tpu.dma_semaphore, #tpu.memory_space<semaphore_mem>>
        %dma_start3A = tpu.memref_slice %arg3[%mul3A_2] : memref<16384xi32, #tpu.memory_space<hbm>> -> memref<1024xi32, #tpu.memory_space<hbm>>
        %dma_start3A_63 = tpu.memref_slice %arg3[%mul3A_2] : memref<16384xi32, #tpu.memory_space<hbm>> -> memref<1024xi32, #tpu.memory_space<hbm>>
        tpu.enqueue_dma source(%dma_start3A_63 : memref<1024xi32, #tpu.memory_space<hbm>>) target(%arg7 : memref<1024xi32, #tpu.memory_space<vmem>>) target_semaphore(%run_scoped3A : memref<!tpu.dma_semaphore, #tpu.memory_space<semaphore_mem>>)
        %dma_wait3A = tpu.memref_slice %arg3[%mul3A_2] : memref<16384xi32, #tpu.memory_space<hbm>> -> memref<1024xi32, #tpu.memory_space<hbm>>
        %dma_wait3A_64 = tpu.memref_slice %arg3[%mul3A_2] : memref<16384xi32, #tpu.memory_space<hbm>> -> memref<1024xi32, #tpu.memory_space<hbm>>
        tpu.wait_dma2 semaphore(%run_scoped3A : memref<!tpu.dma_semaphore, #tpu.memory_space<semaphore_mem>>) src(%dma_wait3A_64 : memref<1024xi32, #tpu.memory_space<hbm>>) dst(%arg7 : memref<1024xi32, #tpu.memory_space<vmem>>)
        tpu.yield
      }) : () -> ()
      %broadcast_in_dim3A = arith.constant 0 : i32
      %broadcast_in_dim3A_3 = vector.broadcast %broadcast_in_dim3A : i32 to vector<16xi32>
      %broadcast_in_dim3A_4 = arith.constant 1 : i32
      %broadcast_in_dim3A_5 = vector.broadcast %broadcast_in_dim3A_4 : i32 to vector<16xi32>
      %iota3A = tpu.iota {dimensions = array<i32: 0>} : vector<16xi32>
      %lt3A = arith.constant 8 : i32
      %lt3A_6 = arith.cmpi slt, %arg1, %lt3A : i32
      %convert_element_type3A_7 = arith.extui %lt3A_6 : i1 to i32
      %cond3A_8 = arith.constant 0 : i32
      %cond3A_9 = arith.cmpi ne, %convert_element_type3A_7, %cond3A_8 : i32
      scf.if %cond3A_9 {
        %mul3A_63 = arith.constant 16 : i32
        %mul3A_64 = arith.muli %arg1, %mul3A_63 : i32
        "tpu.region"() ({
          %run_scoped3A = tpu.sem_alloc : memref<!tpu.dma_semaphore, #tpu.memory_space<semaphore_mem>>
          %dma_start3A = tpu.memref_slice %arg4[%mul3A_64] : memref<128xi32, #tpu.memory_space<hbm>> -> memref<16xi32, #tpu.memory_space<hbm>>
          %dma_start3A_65 = tpu.memref_slice %arg4[%mul3A_64] : memref<128xi32, #tpu.memory_space<hbm>> -> memref<16xi32, #tpu.memory_space<hbm>>
          tpu.enqueue_dma source(%dma_start3A_65 : memref<16xi32, #tpu.memory_space<hbm>>) target(%arg12 : memref<16xi32, #tpu.memory_space<vmem>>) target_semaphore(%run_scoped3A : memref<!tpu.dma_semaphore, #tpu.memory_space<semaphore_mem>>)
          %dma_wait3A = tpu.memref_slice %arg4[%mul3A_64] : memref<128xi32, #tpu.memory_space<hbm>> -> memref<16xi32, #tpu.memory_space<hbm>>
          %dma_wait3A_66 = tpu.memref_slice %arg4[%mul3A_64] : memref<128xi32, #tpu.memory_space<hbm>> -> memref<16xi32, #tpu.memory_space<hbm>>
          tpu.wait_dma2 semaphore(%run_scoped3A : memref<!tpu.dma_semaphore, #tpu.memory_space<semaphore_mem>>) src(%dma_wait3A_66 : memref<16xi32, #tpu.memory_space<hbm>>) dst(%arg12 : memref<16xi32, #tpu.memory_space<vmem>>)
          tpu.yield
        }) : () -> ()
      } else {
      }
      %scan3A = arith.constant 0 : i32
      %scan3A_10 = arith.constant 0 : i32
      %scan3A_11 = arith.constant 8 : i32
      %scan3A_12 = arith.addi %scan3A_10, %scan3A_11 : i32
      %scan3A_13 = arith.constant 1 : i32
      %scan3A_14 = scf.for %scan3A_63 = %scan3A_10 to %scan3A_12 step %scan3A_13 iter_args(%scan3A_64 = %scan3A) -> (i32)  : i32 {
        %mul3A_65 = arith.constant 16 : i32
        %mul3A_66 = arith.muli %scan3A_63, %mul3A_65 : i32
        %swap3A = arith.index_cast %mul3A_66 : i32 to index
        %swap3A_67 = tpu.vector_load %arg10[%swap3A] {strides = array<i32>} : memref<128xi32, #tpu.memory_space<vmem>>, vector<16xi32>,
        tpu.vector_store %arg10[%swap3A], %broadcast_in_dim3A_3 {strides = array<i32>} : memref<128xi32, #tpu.memory_space<vmem>>, vector<16xi32>,
        %scan3A_68 = arith.constant 0 : i32
        scf.yield %scan3A_68 : i32
      }
      %scan3A_15 = arith.constant 8 : i32
      %scan3A_16 = arith.constant 0 : i32
      %scan3A_17 = arith.constant 0 : i32
      %scan3A_18 = arith.constant 128 : i32
      %scan3A_19 = arith.addi %scan3A_17, %scan3A_18 : i32
      %scan3A_20 = arith.constant 1 : i32
      %scan3A_21 = scf.for %scan3A_63 = %scan3A_17 to %scan3A_19 step %scan3A_20 iter_args(%scan3A_64 = %scan3A_16) -> (i32)  : i32 {
        %mul3A_65 = arith.constant 16 : i32
        %mul3A_66 = arith.muli %scan3A_63, %mul3A_65 : i32
        %swap3A = arith.index_cast %mul3A_66 : i32 to index
        %swap3A_67 = tpu.vector_load %arg9[%swap3A] {strides = array<i32>} : memref<2048xi32, #tpu.memory_space<vmem>>, vector<16xi32>,
        tpu.vector_store %arg9[%swap3A], %broadcast_in_dim3A_3 {strides = array<i32>} : memref<2048xi32, #tpu.memory_space<vmem>>, vector<16xi32>,
        %scan3A_68 = arith.constant 0 : i32
        scf.yield %scan3A_68 : i32
      }
      %scan3A_22 = arith.constant 128 : i32
      %scan3A_23 = arith.constant 0 : i32
      %scan3A_24 = arith.constant 0 : i32
      %scan3A_25 = arith.constant 7 : i32
      %scan3A_26 = arith.addi %scan3A_24, %scan3A_25 : i32
      %scan3A_27 = arith.constant 1 : i32
      %scan3A_28 = scf.for %scan3A_63 = %scan3A_24 to %scan3A_26 step %scan3A_27 iter_args(%scan3A_64 = %scan3A_23) -> (i32)  : i32 {
        %mul3A_65 = arith.constant 4 : i32
        %mul3A_66 = arith.muli %mul3A_65, %scan3A_63 : i32
        %sub3A = arith.constant 24 : i32
        %sub3A_67 = arith.subi %sub3A, %mul3A_66 : i32
        %scan3A_68 = arith.constant 0 : i32
        %scan3A_69 = arith.constant 0 : i32
        %scan3A_70 = arith.constant 64 : i32
        %scan3A_71 = arith.addi %scan3A_69, %scan3A_70 : i32
        %scan3A_72 = arith.constant 1 : i32
        %scan3A_73 = scf.for %scan3A_262 = %scan3A_69 to %scan3A_71 step %scan3A_72 iter_args(%scan3A_263 = %scan3A_68) -> (i32)  : i32 {
          %mul3A_264 = arith.constant 16 : i32
          %mul3A_265 = arith.muli %scan3A_262, %mul3A_264 : i32
          %get3A = arith.index_cast %mul3A_265 : i32 to index
          %get3A_266 = tpu.vector_load %arg6[%get3A] {strides = array<i32>} : memref<1024xi32, #tpu.memory_space<vmem>>, vector<16xi32>,
          %get3A_267 = arith.index_cast %mul3A_265 : i32 to index
          %get3A_268 = tpu.vector_load %arg7[%get3A_267] {strides = array<i32>} : memref<1024xi32, #tpu.memory_space<vmem>>, vector<16xi32>,
          %sub3A_269 = arith.constant 1006632960 : i32
          %sub3A_270 = vector.broadcast %sub3A_269 : i32 to vector<16xi32>
          %sub3A_271 = arith.subi %get3A_266, %sub3A_270 : vector<16xi32>
          %ge3A = arith.constant 0 : i32
          %ge3A_272 = vector.broadcast %ge3A : i32 to vector<16xi32>
          %ge3A_273 = arith.cmpi sge, %get3A_266, %ge3A_272 : vector<16xi32>
          %gather3A = tpu.vector_load_idx %arg10[%get3A_268] : memref<128xi32, #tpu.memory_space<vmem>>[vector<16xi32>], vector<16xi32>,
          %add3A_274 = arith.constant 4 : i32
          %add3A_275 = arith.addi %sub3A_67, %add3A_274 : i32
          %shift_right_arithmetic3A = vector.broadcast %add3A_275 : i32 to vector<16xi32>
          %shift_right_arithmetic3A_276 = arith.shrsi %sub3A_271, %shift_right_arithmetic3A : vector<16xi32>
          %eq3A_277 = arith.cmpi eq, %shift_right_arithmetic3A_276, %gather3A : vector<16xi32>
          %and3A = arith.andi %ge3A_273, %eq3A_277 : vector<16xi1>
          %shift_right_arithmetic3A_278 = vector.broadcast %sub3A_67 : i32 to vector<16xi32>
          %shift_right_arithmetic3A_279 = arith.shrsi %sub3A_271, %shift_right_arithmetic3A_278 : vector<16xi32>
          %and3A_280 = arith.constant 15 : i32
          %and3A_281 = vector.broadcast %and3A_280 : i32 to vector<16xi32>
          %and3A_282 = arith.andi %shift_right_arithmetic3A_279, %and3A_281 : vector<16xi32>
          %shift_right_logical3A = arith.constant 4 : i32
          %shift_right_logical3A_283 = vector.broadcast %shift_right_logical3A : i32 to vector<16xi32>
          %shift_right_logical3A_284 = arith.shrui %get3A_268, %shift_right_logical3A_283 : vector<16xi32>
          %mul3A_285 = arith.constant 256 : i32
          %mul3A_286 = vector.broadcast %mul3A_285 : i32 to vector<16xi32>
          %mul3A_287 = arith.muli %shift_right_logical3A_284, %mul3A_286 : vector<16xi32>
          %mul3A_288 = arith.constant 16 : i32
          %mul3A_289 = vector.broadcast %mul3A_288 : i32 to vector<16xi32>
          %mul3A_290 = arith.muli %and3A_282, %mul3A_289 : vector<16xi32>
          %add3A_291 = arith.addi %mul3A_287, %mul3A_290 : vector<16xi32>
          %and3A_292 = arith.constant 15 : i32
          %and3A_293 = vector.broadcast %and3A_292 : i32 to vector<16xi32>
          %and3A_294 = arith.andi %get3A_268, %and3A_293 : vector<16xi32>
          %add3A_295 = arith.addi %add3A_291, %and3A_294 : vector<16xi32>
          tpu.vector_store_idx %arg9[%add3A_295], %broadcast_in_dim3A_5 masked %and3A {add = true} : memref<2048xi32, #tpu.memory_space<vmem>>[vector<16xi32>], vector<16xi32>, vector<16xi1>
          %scan3A_296 = arith.constant 0 : i32
          scf.yield %scan3A_296 : i32
        }
        %scan3A_74 = arith.constant 64 : i32
        %add3A = arith.constant 0 : i32
        %add3A_75 = arith.addi %add3A, %arg1 : i32
        %dma_start3A = arith.constant 0 : i32
        %dma_start3A_76 = tpu.memref_slice %arg9[%dma_start3A] : memref<2048xi32, #tpu.memory_space<vmem>> -> memref<256xi32, #tpu.memory_space<vmem>>
        %dma_start3A_77 = arith.constant 0 : i32
        %dma_start3A_78 = tpu.memref_slice %arg17[%add3A_75, %dma_start3A_77] : memref<128x256xi32, #tpu.memory_space<vmem_shared>> -> memref<1x256xi32, #tpu.memory_space<vmem_shared>>
        %dma_start3A_79 = tpu.memref_squeeze %dma_start3A_78 : memref<1x256xi32, #tpu.memory_space<vmem_shared>> -> memref<256xi32, #tpu.memory_space<vmem_shared>>
        %dma_start3A_80 = arith.constant 0 : i32
        %dma_start3A_81 = tpu.memref_slice %arg17[%add3A_75, %dma_start3A_80] : memref<128x256xi32, #tpu.memory_space<vmem_shared>> -> memref<1x256xi32, #tpu.memory_space<vmem_shared>>
        %dma_start3A_82 = tpu.memref_squeeze %dma_start3A_81 : memref<1x256xi32, #tpu.memory_space<vmem_shared>> -> memref<256xi32, #tpu.memory_space<vmem_shared>>
        %dma_start3A_83 = arith.constant 0 : i32
        %dma_start3A_84 = tpu.memref_slice %arg9[%dma_start3A_83] : memref<2048xi32, #tpu.memory_space<vmem>> -> memref<256xi32, #tpu.memory_space<vmem>>
        tpu.enqueue_dma source(%dma_start3A_84 : memref<256xi32, #tpu.memory_space<vmem>>) target(%dma_start3A_82 : memref<256xi32, #tpu.memory_space<vmem_shared>>) target_semaphore(%arg18 : memref<!tpu.dma_semaphore, #tpu.memory_space<semaphore_mem>>)
        %add3A_85 = arith.constant 16 : i32
        %add3A_86 = arith.addi %add3A_85, %arg1 : i32
        %dma_start3A_87 = arith.constant 256 : i32
        %dma_start3A_88 = tpu.memref_slice %arg9[%dma_start3A_87] : memref<2048xi32, #tpu.memory_space<vmem>> -> memref<256xi32, #tpu.memory_space<vmem>>
        %dma_start3A_89 = arith.constant 0 : i32
        %dma_start3A_90 = tpu.memref_slice %arg17[%add3A_86, %dma_start3A_89] : memref<128x256xi32, #tpu.memory_space<vmem_shared>> -> memref<1x256xi32, #tpu.memory_space<vmem_shared>>
        %dma_start3A_91 = tpu.memref_squeeze %dma_start3A_90 : memref<1x256xi32, #tpu.memory_space<vmem_shared>> -> memref<256xi32, #tpu.memory_space<vmem_shared>>
        %dma_start3A_92 = arith.constant 0 : i32
        %dma_start3A_93 = tpu.memref_slice %arg17[%add3A_86, %dma_start3A_92] : memref<128x256xi32, #tpu.memory_space<vmem_shared>> -> memref<1x256xi32, #tpu.memory_space<vmem_shared>>
        %dma_start3A_94 = tpu.memref_squeeze %dma_start3A_93 : memref<1x256xi32, #tpu.memory_space<vmem_shared>> -> memref<256xi32, #tpu.memory_space<vmem_shared>>
        %dma_start3A_95 = arith.constant 256 : i32
        %dma_start3A_96 = tpu.memref_slice %arg9[%dma_start3A_95] : memref<2048xi32, #tpu.memory_space<vmem>> -> memref<256xi32, #tpu.memory_space<vmem>>
        tpu.enqueue_dma source(%dma_start3A_96 : memref<256xi32, #tpu.memory_space<vmem>>) target(%dma_start3A_94 : memref<256xi32, #tpu.memory_space<vmem_shared>>) target_semaphore(%arg18 : memref<!tpu.dma_semaphore, #tpu.memory_space<semaphore_mem>>)
        %add3A_97 = arith.constant 32 : i32
        %add3A_98 = arith.addi %add3A_97, %arg1 : i32
        %dma_start3A_99 = arith.constant 512 : i32
        %dma_start3A_100 = tpu.memref_slice %arg9[%dma_start3A_99] : memref<2048xi32, #tpu.memory_space<vmem>> -> memref<256xi32, #tpu.memory_space<vmem>>
        %dma_start3A_101 = arith.constant 0 : i32
        %dma_start3A_102 = tpu.memref_slice %arg17[%add3A_98, %dma_start3A_101] : memref<128x256xi32, #tpu.memory_space<vmem_shared>> -> memref<1x256xi32, #tpu.memory_space<vmem_shared>>
        %dma_start3A_103 = tpu.memref_squeeze %dma_start3A_102 : memref<1x256xi32, #tpu.memory_space<vmem_shared>> -> memref<256xi32, #tpu.memory_space<vmem_shared>>
        %dma_start3A_104 = arith.constant 0 : i32
        %dma_start3A_105 = tpu.memref_slice %arg17[%add3A_98, %dma_start3A_104] : memref<128x256xi32, #tpu.memory_space<vmem_shared>> -> memref<1x256xi32, #tpu.memory_space<vmem_shared>>
        %dma_start3A_106 = tpu.memref_squeeze %dma_start3A_105 : memref<1x256xi32, #tpu.memory_space<vmem_shared>> -> memref<256xi32, #tpu.memory_space<vmem_shared>>
        %dma_start3A_107 = arith.constant 512 : i32
        %dma_start3A_108 = tpu.memref_slice %arg9[%dma_start3A_107] : memref<2048xi32, #tpu.memory_space<vmem>> -> memref<256xi32, #tpu.memory_space<vmem>>
        tpu.enqueue_dma source(%dma_start3A_108 : memref<256xi32, #tpu.memory_space<vmem>>) target(%dma_start3A_106 : memref<256xi32, #tpu.memory_space<vmem_shared>>) target_semaphore(%arg18 : memref<!tpu.dma_semaphore, #tpu.memory_space<semaphore_mem>>)
        %add3A_109 = arith.constant 48 : i32
        %add3A_110 = arith.addi %add3A_109, %arg1 : i32
        %dma_start3A_111 = arith.constant 768 : i32
        %dma_start3A_112 = tpu.memref_slice %arg9[%dma_start3A_111] : memref<2048xi32, #tpu.memory_space<vmem>> -> memref<256xi32, #tpu.memory_space<vmem>>
        %dma_start3A_113 = arith.constant 0 : i32
        %dma_start3A_114 = tpu.memref_slice %arg17[%add3A_110, %dma_start3A_113] : memref<128x256xi32, #tpu.memory_space<vmem_shared>> -> memref<1x256xi32, #tpu.memory_space<vmem_shared>>
        %dma_start3A_115 = tpu.memref_squeeze %dma_start3A_114 : memref<1x256xi32, #tpu.memory_space<vmem_shared>> -> memref<256xi32, #tpu.memory_space<vmem_shared>>
        %dma_start3A_116 = arith.constant 0 : i32
        %dma_start3A_117 = tpu.memref_slice %arg17[%add3A_110, %dma_start3A_116] : memref<128x256xi32, #tpu.memory_space<vmem_shared>> -> memref<1x256xi32, #tpu.memory_space<vmem_shared>>
        %dma_start3A_118 = tpu.memref_squeeze %dma_start3A_117 : memref<1x256xi32, #tpu.memory_space<vmem_shared>> -> memref<256xi32, #tpu.memory_space<vmem_shared>>
        %dma_start3A_119 = arith.constant 768 : i32
        %dma_start3A_120 = tpu.memref_slice %arg9[%dma_start3A_119] : memref<2048xi32, #tpu.memory_space<vmem>> -> memref<256xi32, #tpu.memory_space<vmem>>
        tpu.enqueue_dma source(%dma_start3A_120 : memref<256xi32, #tpu.memory_space<vmem>>) target(%dma_start3A_118 : memref<256xi32, #tpu.memory_space<vmem_shared>>) target_semaphore(%arg18 : memref<!tpu.dma_semaphore, #tpu.memory_space<semaphore_mem>>)
        %add3A_121 = arith.constant 64 : i32
        %add3A_122 = arith.addi %add3A_121, %arg1 : i32
        %dma_start3A_123 = arith.constant 1024 : i32
        %dma_start3A_124 = tpu.memref_slice %arg9[%dma_start3A_123] : memref<2048xi32, #tpu.memory_space<vmem>> -> memref<256xi32, #tpu.memory_space<vmem>>
        %dma_start3A_125 = arith.constant 0 : i32
        %dma_start3A_126 = tpu.memref_slice %arg17[%add3A_122, %dma_start3A_125] : memref<128x256xi32, #tpu.memory_space<vmem_shared>> -> memref<1x256xi32, #tpu.memory_space<vmem_shared>>
        %dma_start3A_127 = tpu.memref_squeeze %dma_start3A_126 : memref<1x256xi32, #tpu.memory_space<vmem_shared>> -> memref<256xi32, #tpu.memory_space<vmem_shared>>
        %dma_start3A_128 = arith.constant 0 : i32
        %dma_start3A_129 = tpu.memref_slice %arg17[%add3A_122, %dma_start3A_128] : memref<128x256xi32, #tpu.memory_space<vmem_shared>> -> memref<1x256xi32, #tpu.memory_space<vmem_shared>>
        %dma_start3A_130 = tpu.memref_squeeze %dma_start3A_129 : memref<1x256xi32, #tpu.memory_space<vmem_shared>> -> memref<256xi32, #tpu.memory_space<vmem_shared>>
        %dma_start3A_131 = arith.constant 1024 : i32
        %dma_start3A_132 = tpu.memref_slice %arg9[%dma_start3A_131] : memref<2048xi32, #tpu.memory_space<vmem>> -> memref<256xi32, #tpu.memory_space<vmem>>
        tpu.enqueue_dma source(%dma_start3A_132 : memref<256xi32, #tpu.memory_space<vmem>>) target(%dma_start3A_130 : memref<256xi32, #tpu.memory_space<vmem_shared>>) target_semaphore(%arg18 : memref<!tpu.dma_semaphore, #tpu.memory_space<semaphore_mem>>)
        %add3A_133 = arith.constant 80 : i32
        %add3A_134 = arith.addi %add3A_133, %arg1 : i32
        %dma_start3A_135 = arith.constant 1280 : i32
        %dma_start3A_136 = tpu.memref_slice %arg9[%dma_start3A_135] : memref<2048xi32, #tpu.memory_space<vmem>> -> memref<256xi32, #tpu.memory_space<vmem>>
        %dma_start3A_137 = arith.constant 0 : i32
        %dma_start3A_138 = tpu.memref_slice %arg17[%add3A_134, %dma_start3A_137] : memref<128x256xi32, #tpu.memory_space<vmem_shared>> -> memref<1x256xi32, #tpu.memory_space<vmem_shared>>
        %dma_start3A_139 = tpu.memref_squeeze %dma_start3A_138 : memref<1x256xi32, #tpu.memory_space<vmem_shared>> -> memref<256xi32, #tpu.memory_space<vmem_shared>>
        %dma_start3A_140 = arith.constant 0 : i32
        %dma_start3A_141 = tpu.memref_slice %arg17[%add3A_134, %dma_start3A_140] : memref<128x256xi32, #tpu.memory_space<vmem_shared>> -> memref<1x256xi32, #tpu.memory_space<vmem_shared>>
        %dma_start3A_142 = tpu.memref_squeeze %dma_start3A_141 : memref<1x256xi32, #tpu.memory_space<vmem_shared>> -> memref<256xi32, #tpu.memory_space<vmem_shared>>
        %dma_start3A_143 = arith.constant 1280 : i32
        %dma_start3A_144 = tpu.memref_slice %arg9[%dma_start3A_143] : memref<2048xi32, #tpu.memory_space<vmem>> -> memref<256xi32, #tpu.memory_space<vmem>>
        tpu.enqueue_dma source(%dma_start3A_144 : memref<256xi32, #tpu.memory_space<vmem>>) target(%dma_start3A_142 : memref<256xi32, #tpu.memory_space<vmem_shared>>) target_semaphore(%arg18 : memref<!tpu.dma_semaphore, #tpu.memory_space<semaphore_mem>>)
        %add3A_145 = arith.constant 96 : i32
        %add3A_146 = arith.addi %add3A_145, %arg1 : i32
        %dma_start3A_147 = arith.constant 1536 : i32
        %dma_start3A_148 = tpu.memref_slice %arg9[%dma_start3A_147] : memref<2048xi32, #tpu.memory_space<vmem>> -> memref<256xi32, #tpu.memory_space<vmem>>
        %dma_start3A_149 = arith.constant 0 : i32
        %dma_start3A_150 = tpu.memref_slice %arg17[%add3A_146, %dma_start3A_149] : memref<128x256xi32, #tpu.memory_space<vmem_shared>> -> memref<1x256xi32, #tpu.memory_space<vmem_shared>>
        %dma_start3A_151 = tpu.memref_squeeze %dma_start3A_150 : memref<1x256xi32, #tpu.memory_space<vmem_shared>> -> memref<256xi32, #tpu.memory_space<vmem_shared>>
        %dma_start3A_152 = arith.constant 0 : i32
        %dma_start3A_153 = tpu.memref_slice %arg17[%add3A_146, %dma_start3A_152] : memref<128x256xi32, #tpu.memory_space<vmem_shared>> -> memref<1x256xi32, #tpu.memory_space<vmem_shared>>
        %dma_start3A_154 = tpu.memref_squeeze %dma_start3A_153 : memref<1x256xi32, #tpu.memory_space<vmem_shared>> -> memref<256xi32, #tpu.memory_space<vmem_shared>>
        %dma_start3A_155 = arith.constant 1536 : i32
        %dma_start3A_156 = tpu.memref_slice %arg9[%dma_start3A_155] : memref<2048xi32, #tpu.memory_space<vmem>> -> memref<256xi32, #tpu.memory_space<vmem>>
        tpu.enqueue_dma source(%dma_start3A_156 : memref<256xi32, #tpu.memory_space<vmem>>) target(%dma_start3A_154 : memref<256xi32, #tpu.memory_space<vmem_shared>>) target_semaphore(%arg18 : memref<!tpu.dma_semaphore, #tpu.memory_space<semaphore_mem>>)
        %add3A_157 = arith.constant 112 : i32
        %add3A_158 = arith.addi %add3A_157, %arg1 : i32
        %dma_start3A_159 = arith.constant 1792 : i32
        %dma_start3A_160 = tpu.memref_slice %arg9[%dma_start3A_159] : memref<2048xi32, #tpu.memory_space<vmem>> -> memref<256xi32, #tpu.memory_space<vmem>>
        %dma_start3A_161 = arith.constant 0 : i32
        %dma_start3A_162 = tpu.memref_slice %arg17[%add3A_158, %dma_start3A_161] : memref<128x256xi32, #tpu.memory_space<vmem_shared>> -> memref<1x256xi32, #tpu.memory_space<vmem_shared>>
        %dma_start3A_163 = tpu.memref_squeeze %dma_start3A_162 : memref<1x256xi32, #tpu.memory_space<vmem_shared>> -> memref<256xi32, #tpu.memory_space<vmem_shared>>
        %dma_start3A_164 = arith.constant 0 : i32
        %dma_start3A_165 = tpu.memref_slice %arg17[%add3A_158, %dma_start3A_164] : memref<128x256xi32, #tpu.memory_space<vmem_shared>> -> memref<1x256xi32, #tpu.memory_space<vmem_shared>>
        %dma_start3A_166 = tpu.memref_squeeze %dma_start3A_165 : memref<1x256xi32, #tpu.memory_space<vmem_shared>> -> memref<256xi32, #tpu.memory_space<vmem_shared>>
        %dma_start3A_167 = arith.constant 1792 : i32
        %dma_start3A_168 = tpu.memref_slice %arg9[%dma_start3A_167] : memref<2048xi32, #tpu.memory_space<vmem>> -> memref<256xi32, #tpu.memory_space<vmem>>
        tpu.enqueue_dma source(%dma_start3A_168 : memref<256xi32, #tpu.memory_space<vmem>>) target(%dma_start3A_166 : memref<256xi32, #tpu.memory_space<vmem_shared>>) target_semaphore(%arg18 : memref<!tpu.dma_semaphore, #tpu.memory_space<semaphore_mem>>)
        %dma_wait3A = arith.constant 0 : i32
        %dma_wait3A_169 = tpu.memref_slice %arg9[%dma_wait3A] : memref<2048xi32, #tpu.memory_space<vmem>> -> memref<256xi32, #tpu.memory_space<vmem>>
        %dma_wait3A_170 = arith.constant 0 : i32
        %dma_wait3A_171 = tpu.memref_slice %arg17[%add3A_75, %dma_wait3A_170] : memref<128x256xi32, #tpu.memory_space<vmem_shared>> -> memref<1x256xi32, #tpu.memory_space<vmem_shared>>
        %dma_wait3A_172 = tpu.memref_squeeze %dma_wait3A_171 : memref<1x256xi32, #tpu.memory_space<vmem_shared>> -> memref<256xi32, #tpu.memory_space<vmem_shared>>
        %dma_wait3A_173 = arith.constant 0 : i32
        %dma_wait3A_174 = tpu.memref_slice %arg17[%add3A_75, %dma_wait3A_173] : memref<128x256xi32, #tpu.memory_space<vmem_shared>> -> memref<1x256xi32, #tpu.memory_space<vmem_shared>>
        %dma_wait3A_175 = tpu.memref_squeeze %dma_wait3A_174 : memref<1x256xi32, #tpu.memory_space<vmem_shared>> -> memref<256xi32, #tpu.memory_space<vmem_shared>>
        %dma_wait3A_176 = arith.constant 0 : i32
        %dma_wait3A_177 = tpu.memref_slice %arg9[%dma_wait3A_176] : memref<2048xi32, #tpu.memory_space<vmem>> -> memref<256xi32, #tpu.memory_space<vmem>>
        tpu.wait_dma2 semaphore(%arg18 : memref<!tpu.dma_semaphore, #tpu.memory_space<semaphore_mem>>) src(%dma_wait3A_177 : memref<256xi32, #tpu.memory_space<vmem>>) dst(%dma_wait3A_175 : memref<256xi32, #tpu.memory_space<vmem_shared>>)
        %dma_wait3A_178 = arith.constant 256 : i32
        %dma_wait3A_179 = tpu.memref_slice %arg9[%dma_wait3A_178] : memref<2048xi32, #tpu.memory_space<vmem>> -> memref<256xi32, #tpu.memory_space<vmem>>
        %dma_wait3A_180 = arith.constant 0 : i32
        %dma_wait3A_181 = tpu.memref_slice %arg17[%add3A_86, %dma_wait3A_180] : memref<128x256xi32, #tpu.memory_space<vmem_shared>> -> memref<1x256xi32, #tpu.memory_space<vmem_shared>>
        %dma_wait3A_182 = tpu.memref_squeeze %dma_wait3A_181 : memref<1x256xi32, #tpu.memory_space<vmem_shared>> -> memref<256xi32, #tpu.memory_space<vmem_shared>>
        %dma_wait3A_183 = arith.constant 0 : i32
        %dma_wait3A_184 = tpu.memref_slice %arg17[%add3A_86, %dma_wait3A_183] : memref<128x256xi32, #tpu.memory_space<vmem_shared>> -> memref<1x256xi32, #tpu.memory_space<vmem_shared>>
        %dma_wait3A_185 = tpu.memref_squeeze %dma_wait3A_184 : memref<1x256xi32, #tpu.memory_space<vmem_shared>> -> memref<256xi32, #tpu.memory_space<vmem_shared>>
        %dma_wait3A_186 = arith.constant 256 : i32
        %dma_wait3A_187 = tpu.memref_slice %arg9[%dma_wait3A_186] : memref<2048xi32, #tpu.memory_space<vmem>> -> memref<256xi32, #tpu.memory_space<vmem>>
        tpu.wait_dma2 semaphore(%arg18 : memref<!tpu.dma_semaphore, #tpu.memory_space<semaphore_mem>>) src(%dma_wait3A_187 : memref<256xi32, #tpu.memory_space<vmem>>) dst(%dma_wait3A_185 : memref<256xi32, #tpu.memory_space<vmem_shared>>)
        %dma_wait3A_188 = arith.constant 512 : i32
        %dma_wait3A_189 = tpu.memref_slice %arg9[%dma_wait3A_188] : memref<2048xi32, #tpu.memory_space<vmem>> -> memref<256xi32, #tpu.memory_space<vmem>>
        %dma_wait3A_190 = arith.constant 0 : i32
        %dma_wait3A_191 = tpu.memref_slice %arg17[%add3A_98, %dma_wait3A_190] : memref<128x256xi32, #tpu.memory_space<vmem_shared>> -> memref<1x256xi32, #tpu.memory_space<vmem_shared>>
        %dma_wait3A_192 = tpu.memref_squeeze %dma_wait3A_191 : memref<1x256xi32, #tpu.memory_space<vmem_shared>> -> memref<256xi32, #tpu.memory_space<vmem_shared>>
        %dma_wait3A_193 = arith.constant 0 : i32
        %dma_wait3A_194 = tpu.memref_slice %arg17[%add3A_98, %dma_wait3A_193] : memref<128x256xi32, #tpu.memory_space<vmem_shared>> -> memref<1x256xi32, #tpu.memory_space<vmem_shared>>
        %dma_wait3A_195 = tpu.memref_squeeze %dma_wait3A_194 : memref<1x256xi32, #tpu.memory_space<vmem_shared>> -> memref<256xi32, #tpu.memory_space<vmem_shared>>
        %dma_wait3A_196 = arith.constant 512 : i32
        %dma_wait3A_197 = tpu.memref_slice %arg9[%dma_wait3A_196] : memref<2048xi32, #tpu.memory_space<vmem>> -> memref<256xi32, #tpu.memory_space<vmem>>
        tpu.wait_dma2 semaphore(%arg18 : memref<!tpu.dma_semaphore, #tpu.memory_space<semaphore_mem>>) src(%dma_wait3A_197 : memref<256xi32, #tpu.memory_space<vmem>>) dst(%dma_wait3A_195 : memref<256xi32, #tpu.memory_space<vmem_shared>>)
        %dma_wait3A_198 = arith.constant 768 : i32
        %dma_wait3A_199 = tpu.memref_slice %arg9[%dma_wait3A_198] : memref<2048xi32, #tpu.memory_space<vmem>> -> memref<256xi32, #tpu.memory_space<vmem>>
        %dma_wait3A_200 = arith.constant 0 : i32
        %dma_wait3A_201 = tpu.memref_slice %arg17[%add3A_110, %dma_wait3A_200] : memref<128x256xi32, #tpu.memory_space<vmem_shared>> -> memref<1x256xi32, #tpu.memory_space<vmem_shared>>
        %dma_wait3A_202 = tpu.memref_squeeze %dma_wait3A_201 : memref<1x256xi32, #tpu.memory_space<vmem_shared>> -> memref<256xi32, #tpu.memory_space<vmem_shared>>
        %dma_wait3A_203 = arith.constant 0 : i32
        %dma_wait3A_204 = tpu.memref_slice %arg17[%add3A_110, %dma_wait3A_203] : memref<128x256xi32, #tpu.memory_space<vmem_shared>> -> memref<1x256xi32, #tpu.memory_space<vmem_shared>>
        %dma_wait3A_205 = tpu.memref_squeeze %dma_wait3A_204 : memref<1x256xi32, #tpu.memory_space<vmem_shared>> -> memref<256xi32, #tpu.memory_space<vmem_shared>>
        %dma_wait3A_206 = arith.constant 768 : i32
        %dma_wait3A_207 = tpu.memref_slice %arg9[%dma_wait3A_206] : memref<2048xi32, #tpu.memory_space<vmem>> -> memref<256xi32, #tpu.memory_space<vmem>>
        tpu.wait_dma2 semaphore(%arg18 : memref<!tpu.dma_semaphore, #tpu.memory_space<semaphore_mem>>) src(%dma_wait3A_207 : memref<256xi32, #tpu.memory_space<vmem>>) dst(%dma_wait3A_205 : memref<256xi32, #tpu.memory_space<vmem_shared>>)
        %dma_wait3A_208 = arith.constant 1024 : i32
        %dma_wait3A_209 = tpu.memref_slice %arg9[%dma_wait3A_208] : memref<2048xi32, #tpu.memory_space<vmem>> -> memref<256xi32, #tpu.memory_space<vmem>>
        %dma_wait3A_210 = arith.constant 0 : i32
        %dma_wait3A_211 = tpu.memref_slice %arg17[%add3A_122, %dma_wait3A_210] : memref<128x256xi32, #tpu.memory_space<vmem_shared>> -> memref<1x256xi32, #tpu.memory_space<vmem_shared>>
        %dma_wait3A_212 = tpu.memref_squeeze %dma_wait3A_211 : memref<1x256xi32, #tpu.memory_space<vmem_shared>> -> memref<256xi32, #tpu.memory_space<vmem_shared>>
        %dma_wait3A_213 = arith.constant 0 : i32
        %dma_wait3A_214 = tpu.memref_slice %arg17[%add3A_122, %dma_wait3A_213] : memref<128x256xi32, #tpu.memory_space<vmem_shared>> -> memref<1x256xi32, #tpu.memory_space<vmem_shared>>
        %dma_wait3A_215 = tpu.memref_squeeze %dma_wait3A_214 : memref<1x256xi32, #tpu.memory_space<vmem_shared>> -> memref<256xi32, #tpu.memory_space<vmem_shared>>
        %dma_wait3A_216 = arith.constant 1024 : i32
        %dma_wait3A_217 = tpu.memref_slice %arg9[%dma_wait3A_216] : memref<2048xi32, #tpu.memory_space<vmem>> -> memref<256xi32, #tpu.memory_space<vmem>>
        tpu.wait_dma2 semaphore(%arg18 : memref<!tpu.dma_semaphore, #tpu.memory_space<semaphore_mem>>) src(%dma_wait3A_217 : memref<256xi32, #tpu.memory_space<vmem>>) dst(%dma_wait3A_215 : memref<256xi32, #tpu.memory_space<vmem_shared>>)
        %dma_wait3A_218 = arith.constant 1280 : i32
        %dma_wait3A_219 = tpu.memref_slice %arg9[%dma_wait3A_218] : memref<2048xi32, #tpu.memory_space<vmem>> -> memref<256xi32, #tpu.memory_space<vmem>>
        %dma_wait3A_220 = arith.constant 0 : i32
        %dma_wait3A_221 = tpu.memref_slice %arg17[%add3A_134, %dma_wait3A_220] : memref<128x256xi32, #tpu.memory_space<vmem_shared>> -> memref<1x256xi32, #tpu.memory_space<vmem_shared>>
        %dma_wait3A_222 = tpu.memref_squeeze %dma_wait3A_221 : memref<1x256xi32, #tpu.memory_space<vmem_shared>> -> memref<256xi32, #tpu.memory_space<vmem_shared>>
        %dma_wait3A_223 = arith.constant 0 : i32
        %dma_wait3A_224 = tpu.memref_slice %arg17[%add3A_134, %dma_wait3A_223] : memref<128x256xi32, #tpu.memory_space<vmem_shared>> -> memref<1x256xi32, #tpu.memory_space<vmem_shared>>
        %dma_wait3A_225 = tpu.memref_squeeze %dma_wait3A_224 : memref<1x256xi32, #tpu.memory_space<vmem_shared>> -> memref<256xi32, #tpu.memory_space<vmem_shared>>
        %dma_wait3A_226 = arith.constant 1280 : i32
        %dma_wait3A_227 = tpu.memref_slice %arg9[%dma_wait3A_226] : memref<2048xi32, #tpu.memory_space<vmem>> -> memref<256xi32, #tpu.memory_space<vmem>>
        tpu.wait_dma2 semaphore(%arg18 : memref<!tpu.dma_semaphore, #tpu.memory_space<semaphore_mem>>) src(%dma_wait3A_227 : memref<256xi32, #tpu.memory_space<vmem>>) dst(%dma_wait3A_225 : memref<256xi32, #tpu.memory_space<vmem_shared>>)
        %dma_wait3A_228 = arith.constant 1536 : i32
        %dma_wait3A_229 = tpu.memref_slice %arg9[%dma_wait3A_228] : memref<2048xi32, #tpu.memory_space<vmem>> -> memref<256xi32, #tpu.memory_space<vmem>>
        %dma_wait3A_230 = arith.constant 0 : i32
        %dma_wait3A_231 = tpu.memref_slice %arg17[%add3A_146, %dma_wait3A_230] : memref<128x256xi32, #tpu.memory_space<vmem_shared>> -> memref<1x256xi32, #tpu.memory_space<vmem_shared>>
        %dma_wait3A_232 = tpu.memref_squeeze %dma_wait3A_231 : memref<1x256xi32, #tpu.memory_space<vmem_shared>> -> memref<256xi32, #tpu.memory_space<vmem_shared>>
        %dma_wait3A_233 = arith.constant 0 : i32
        %dma_wait3A_234 = tpu.memref_slice %arg17[%add3A_146, %dma_wait3A_233] : memref<128x256xi32, #tpu.memory_space<vmem_shared>> -> memref<1x256xi32, #tpu.memory_space<vmem_shared>>
        %dma_wait3A_235 = tpu.memref_squeeze %dma_wait3A_234 : memref<1x256xi32, #tpu.memory_space<vmem_shared>> -> memref<256xi32, #tpu.memory_space<vmem_shared>>
        %dma_wait3A_236 = arith.constant 1536 : i32
        %dma_wait3A_237 = tpu.memref_slice %arg9[%dma_wait3A_236] : memref<2048xi32, #tpu.memory_space<vmem>> -> memref<256xi32, #tpu.memory_space<vmem>>
        tpu.wait_dma2 semaphore(%arg18 : memref<!tpu.dma_semaphore, #tpu.memory_space<semaphore_mem>>) src(%dma_wait3A_237 : memref<256xi32, #tpu.memory_space<vmem>>) dst(%dma_wait3A_235 : memref<256xi32, #tpu.memory_space<vmem_shared>>)
        %dma_wait3A_238 = arith.constant 1792 : i32
        %dma_wait3A_239 = tpu.memref_slice %arg9[%dma_wait3A_238] : memref<2048xi32, #tpu.memory_space<vmem>> -> memref<256xi32, #tpu.memory_space<vmem>>
        %dma_wait3A_240 = arith.constant 0 : i32
        %dma_wait3A_241 = tpu.memref_slice %arg17[%add3A_158, %dma_wait3A_240] : memref<128x256xi32, #tpu.memory_space<vmem_shared>> -> memref<1x256xi32, #tpu.memory_space<vmem_shared>>
        %dma_wait3A_242 = tpu.memref_squeeze %dma_wait3A_241 : memref<1x256xi32, #tpu.memory_space<vmem_shared>> -> memref<256xi32, #tpu.memory_space<vmem_shared>>
        %dma_wait3A_243 = arith.constant 0 : i32
        %dma_wait3A_244 = tpu.memref_slice %arg17[%add3A_158, %dma_wait3A_243] : memref<128x256xi32, #tpu.memory_space<vmem_shared>> -> memref<1x256xi32, #tpu.memory_space<vmem_shared>>
        %dma_wait3A_245 = tpu.memref_squeeze %dma_wait3A_244 : memref<1x256xi32, #tpu.memory_space<vmem_shared>> -> memref<256xi32, #tpu.memory_space<vmem_shared>>
        %dma_wait3A_246 = arith.constant 1792 : i32
        %dma_wait3A_247 = tpu.memref_slice %arg9[%dma_wait3A_246] : memref<2048xi32, #tpu.memory_space<vmem>> -> memref<256xi32, #tpu.memory_space<vmem>>
        tpu.wait_dma2 semaphore(%arg18 : memref<!tpu.dma_semaphore, #tpu.memory_space<semaphore_mem>>) src(%dma_wait3A_247 : memref<256xi32, #tpu.memory_space<vmem>>) dst(%dma_wait3A_245 : memref<256xi32, #tpu.memory_space<vmem_shared>>)
        %scan3A_248 = arith.constant 0 : i32
        %scan3A_249 = arith.constant 0 : i32
        %scan3A_250 = arith.constant 128 : i32
        %scan3A_251 = arith.addi %scan3A_249, %scan3A_250 : i32
        %scan3A_252 = arith.constant 1 : i32
        %scan3A_253 = scf.for %scan3A_262 = %scan3A_249 to %scan3A_251 step %scan3A_252 iter_args(%scan3A_263 = %scan3A_248) -> (i32)  : i32 {
          %mul3A_264 = arith.constant 16 : i32
          %mul3A_265 = arith.muli %scan3A_262, %mul3A_264 : i32
          %swap3A = arith.index_cast %mul3A_265 : i32 to index
          %swap3A_266 = tpu.vector_load %arg9[%swap3A] {strides = array<i32>} : memref<2048xi32, #tpu.memory_space<vmem>>, vector<16xi32>,
          tpu.vector_store %arg9[%swap3A], %broadcast_in_dim3A_3 {strides = array<i32>} : memref<2048xi32, #tpu.memory_space<vmem>>, vector<16xi32>,
          %scan3A_267 = arith.constant 0 : i32
          scf.yield %scan3A_267 : i32
        }
        %scan3A_254 = arith.constant 128 : i32
        %barrier3A = arith.constant 0 : index
        tpu.barrier barrier_id(%barrier3A)
        %lt3A_255 = arith.constant 8 : i32
        %lt3A_256 = arith.cmpi slt, %arg1, %lt3A_255 : i32
        %convert_element_type3A_257 = arith.extui %lt3A_256 : i1 to i32
        %cond3A_258 = arith.constant 0 : i32
        %cond3A_259 = arith.cmpi ne, %convert_element_type3A_257, %cond3A_258 : i32
        scf.if %cond3A_259 {
          %mul3A_262 = arith.constant 16 : i32
          %mul3A_263 = arith.muli %arg1, %mul3A_262 : i32
          "tpu.region"() ({
            %run_scoped3A = tpu.sem_alloc : memref<!tpu.dma_semaphore, #tpu.memory_space<semaphore_mem>>
            %dma_start3A_308 = arith.constant 0 : i32
            %dma_start3A_309 = tpu.memref_slice %arg17[%mul3A_263, %dma_start3A_308] : memref<128x256xi32, #tpu.memory_space<vmem_shared>> -> memref<16x256xi32, #tpu.memory_space<vmem_shared>>
            %dma_start3A_310 = arith.constant 0 : i32
            %dma_start3A_311 = tpu.memref_slice %arg17[%mul3A_263, %dma_start3A_310] : memref<128x256xi32, #tpu.memory_space<vmem_shared>> -> memref<16x256xi32, #tpu.memory_space<vmem_shared>>
            tpu.enqueue_dma source(%dma_start3A_311 : memref<16x256xi32, #tpu.memory_space<vmem_shared>>) target(%arg14 : memref<16x256xi32, #tpu.memory_space<vmem>>) target_semaphore(%run_scoped3A : memref<!tpu.dma_semaphore, #tpu.memory_space<semaphore_mem>>)
            %dma_wait3A_312 = arith.constant 0 : i32
            %dma_wait3A_313 = tpu.memref_slice %arg17[%mul3A_263, %dma_wait3A_312] : memref<128x256xi32, #tpu.memory_space<vmem_shared>> -> memref<16x256xi32, #tpu.memory_space<vmem_shared>>
            %dma_wait3A_314 = arith.constant 0 : i32
            %dma_wait3A_315 = tpu.memref_slice %arg17[%mul3A_263, %dma_wait3A_314] : memref<128x256xi32, #tpu.memory_space<vmem_shared>> -> memref<16x256xi32, #tpu.memory_space<vmem_shared>>
            tpu.wait_dma2 semaphore(%run_scoped3A : memref<!tpu.dma_semaphore, #tpu.memory_space<semaphore_mem>>) src(%dma_wait3A_315 : memref<16x256xi32, #tpu.memory_space<vmem_shared>>) dst(%arg14 : memref<16x256xi32, #tpu.memory_space<vmem>>)
            tpu.yield
          }) : () -> ()
          %scan3A_264 = arith.constant 0 : i32
          %scan3A_265 = arith.constant 0 : i32
          %scan3A_266 = arith.constant 16 : i32
          %scan3A_267 = arith.addi %scan3A_265, %scan3A_266 : i32
          %scan3A_268 = arith.constant 1 : i32
          %scan3A_269 = scf.for %scan3A_308 = %scan3A_265 to %scan3A_267 step %scan3A_268 iter_args(%scan3A_309 = %scan3A_264) -> (i32)  : i32 {
            %scan3A_310 = arith.constant 0 : i32
            %scan3A_311 = arith.constant 16 : i32
            %scan3A_312 = arith.addi %scan3A_310, %scan3A_311 : i32
            %scan3A_313 = arith.constant 1 : i32
            %scan3A_314 = scf.for %scan3A_321 = %scan3A_310 to %scan3A_312 step %scan3A_313 iter_args(%scan3A_322 = %broadcast_in_dim3A_3) -> (vector<16xi32>)  : i32 {
              %mul3A_323 = arith.constant 16 : i32
              %mul3A_324 = arith.muli %scan3A_308, %mul3A_323 : i32
              %get3A_325 = arith.index_cast %scan3A_321 : i32 to index
              %get3A_326 = arith.index_cast %mul3A_324 : i32 to index
              %get3A_327 = tpu.vector_load %arg14[%get3A_325, %get3A_326] {strides = array<i32>} : memref<16x256xi32, #tpu.memory_space<vmem>>, vector<16xi32>,
              %add3A_328 = arith.addi %scan3A_322, %get3A_327 : vector<16xi32>
              scf.yield %add3A_328 : vector<16xi32>
            }
            %scan3A_315 = arith.constant 16 : i32
            %mul3A_316 = arith.constant 16 : i32
            %mul3A_317 = arith.muli %scan3A_308, %mul3A_316 : i32
            %swap3A_318 = arith.index_cast %mul3A_317 : i32 to index
            %swap3A_319 = tpu.vector_load %arg15[%swap3A_318] {strides = array<i32>} : memref<256xi32, #tpu.memory_space<vmem>>, vector<16xi32>,
            tpu.vector_store %arg15[%swap3A_318], %scan3A_314 {strides = array<i32>} : memref<256xi32, #tpu.memory_space<vmem>>, vector<16xi32>,
            %scan3A_320 = arith.constant 0 : i32
            scf.yield %scan3A_320 : i32
          }
          %scan3A_270 = arith.constant 16 : i32
          %get3A = arith.constant 0 : index
          %get3A_271 = tpu.vector_load %arg12[%get3A] {strides = array<i32>} : memref<16xi32, #tpu.memory_space<vmem>>, vector<16xi32>,
          %mul3A_272 = arith.constant 16 : i32
          %mul3A_273 = arith.muli %arg1, %mul3A_272 : i32
          %get3A_274 = arith.index_cast %mul3A_273 : i32 to index
          %get3A_275 = tpu.vector_load %arg10[%get3A_274] {strides = array<i32>} : memref<128xi32, #tpu.memory_space<vmem>>, vector<16xi32>,
          %scan3A_276 = arith.constant 0 : i32
          %scan3A_277 = arith.constant 16 : i32
          %scan3A_278 = arith.addi %scan3A_276, %scan3A_277 : i32
          %scan3A_279 = arith.constant 1 : i32
          %scan3A_280 = scf.for %scan3A_308 = %scan3A_276 to %scan3A_278 step %scan3A_279 iter_args(%scan3A_309 = %broadcast_in_dim3A_3) -> (vector<16xi32>)  : i32 {
            %mul3A_310 = arith.constant 16 : i32
            %mul3A_311 = arith.muli %scan3A_308, %mul3A_310 : i32
            %get3A_312 = arith.index_cast %mul3A_311 : i32 to index
            %get3A_313 = tpu.vector_load %arg15[%get3A_312] {strides = array<i32>} : memref<256xi32, #tpu.memory_space<vmem>>, vector<16xi32>,
            %add3A_314 = arith.addi %scan3A_309, %get3A_313 : vector<16xi32>
            scf.yield %add3A_314 : vector<16xi32>
          }
          %scan3A_281 = arith.constant 16 : i32
          %sub3A_282 = arith.subi %scan3A_280, %get3A_271 : vector<16xi32>
          %add3A_283 = arith.constant 1 : i32
          %add3A_284 = vector.broadcast %add3A_283 : i32 to vector<16xi32>
          %add3A_285 = arith.addi %sub3A_282, %add3A_284 : vector<16xi32>
          %scan3A_286 = arith.constant 0 : i32
          %scan3A_287 = arith.constant 16 : i32
          %scan3A_288 = arith.addi %scan3A_286, %scan3A_287 : i32
          %scan3A_289 = arith.constant 1 : i32
          %scan3A_290:5 = scf.for %scan3A_308 = %scan3A_286 to %scan3A_288 step %scan3A_289 iter_args(%scan3A_309 = %broadcast_in_dim3A_3, %scan3A_310 = %broadcast_in_dim3A_3, %scan3A_311 = %broadcast_in_dim3A_3, %scan3A_312 = %broadcast_in_dim3A_3, %scan3A_313 = %broadcast_in_dim3A_3) -> (vector<16xi32>, vector<16xi32>, vector<16xi32>, vector<16xi32>, vector<16xi32>)  : i32 {
            %mul3A_314 = arith.constant 16 : i32
            %mul3A_315 = arith.muli %scan3A_308, %mul3A_314 : i32
            %get3A_316 = arith.index_cast %mul3A_315 : i32 to index
            %get3A_317 = tpu.vector_load %arg15[%get3A_316] {strides = array<i32>} : memref<256xi32, #tpu.memory_space<vmem>>, vector<16xi32>,
            %add3A_318 = arith.addi %scan3A_309, %get3A_317 : vector<16xi32>
            %ge3A = arith.cmpi sge, %add3A_318, %add3A_285 : vector<16xi32>
            %convert_element_type3A_319 = arith.extui %ge3A : vector<16xi1> to vector<16xi32>
            %sub3A_320 = arith.subi %convert_element_type3A_319, %scan3A_310 : vector<16xi32>
            %mul3A_321 = vector.broadcast %scan3A_308 : i32 to vector<16xi32>
            %mul3A_322 = arith.muli %mul3A_321, %sub3A_320 : vector<16xi32>
            %add3A_323 = arith.addi %scan3A_311, %mul3A_322 : vector<16xi32>
            %mul3A_324 = arith.muli %get3A_317, %sub3A_320 : vector<16xi32>
            %add3A_325 = arith.addi %scan3A_312, %mul3A_324 : vector<16xi32>
            %mul3A_326 = arith.muli %add3A_318, %sub3A_320 : vector<16xi32>
            %add3A_327 = arith.addi %scan3A_313, %mul3A_326 : vector<16xi32>
            scf.yield %add3A_318, %convert_element_type3A_319, %add3A_323, %add3A_325, %add3A_327 : vector<16xi32>, vector<16xi32>, vector<16xi32>, vector<16xi32>, vector<16xi32>
          }
          %scan3A_291 = arith.constant 16 : i32
          %sub3A_292 = arith.subi %scan3A_280, %scan3A_290#4 : vector<16xi32>
          %sub3A_293 = arith.subi %get3A_271, %sub3A_292 : vector<16xi32>
          %swap3A = arith.constant 0 : index
          %swap3A_294 = tpu.vector_load %arg12[%swap3A] {strides = array<i32>} : memref<16xi32, #tpu.memory_space<vmem>>, vector<16xi32>,
          tpu.vector_store %arg12[%swap3A], %sub3A_293 {strides = array<i32>} : memref<16xi32, #tpu.memory_space<vmem>>, vector<16xi32>,
          %mul3A_295 = arith.constant 16 : i32
          %mul3A_296 = vector.broadcast %mul3A_295 : i32 to vector<16xi32>
          %mul3A_297 = arith.muli %get3A_275, %mul3A_296 : vector<16xi32>
          %add3A_298 = arith.addi %mul3A_297, %scan3A_290#2 : vector<16xi32>
          %swap3A_299 = arith.constant 0 : index
          %swap3A_300 = tpu.vector_load %arg13[%swap3A_299] {strides = array<i32>} : memref<16xi32, #tpu.memory_space<vmem>>, vector<16xi32>,
          tpu.vector_store %arg13[%swap3A_299], %add3A_298 {strides = array<i32>} : memref<16xi32, #tpu.memory_space<vmem>>, vector<16xi32>,
          %mul3A_301 = arith.constant 16 : i32
          %mul3A_302 = arith.muli %arg1, %mul3A_301 : i32
          "tpu.region"() ({
            %run_scoped3A = tpu.sem_alloc : memref<!tpu.dma_semaphore, #tpu.memory_space<semaphore_mem>>
            %dma_start3A_308 = tpu.memref_slice %arg19[%mul3A_302] : memref<128xi32, #tpu.memory_space<vmem_shared>> -> memref<16xi32, #tpu.memory_space<vmem_shared>>
            %dma_start3A_309 = tpu.memref_slice %arg19[%mul3A_302] : memref<128xi32, #tpu.memory_space<vmem_shared>> -> memref<16xi32, #tpu.memory_space<vmem_shared>>
            tpu.enqueue_dma source(%arg13 : memref<16xi32, #tpu.memory_space<vmem>>) target(%dma_start3A_309 : memref<16xi32, #tpu.memory_space<vmem_shared>>) target_semaphore(%run_scoped3A : memref<!tpu.dma_semaphore, #tpu.memory_space<semaphore_mem>>)
            %dma_wait3A_310 = tpu.memref_slice %arg19[%mul3A_302] : memref<128xi32, #tpu.memory_space<vmem_shared>> -> memref<16xi32, #tpu.memory_space<vmem_shared>>
            %dma_wait3A_311 = tpu.memref_slice %arg19[%mul3A_302] : memref<128xi32, #tpu.memory_space<vmem_shared>> -> memref<16xi32, #tpu.memory_space<vmem_shared>>
            tpu.wait_dma2 semaphore(%run_scoped3A : memref<!tpu.dma_semaphore, #tpu.memory_space<semaphore_mem>>) src(%arg13 : memref<16xi32, #tpu.memory_space<vmem>>) dst(%dma_wait3A_311 : memref<16xi32, #tpu.memory_space<vmem_shared>>)
            tpu.yield
          }) : () -> ()
          %eq3A_303 = arith.constant 6 : i32
          %eq3A_304 = arith.cmpi eq, %scan3A_63, %eq3A_303 : i32
          %convert_element_type3A_305 = arith.extui %eq3A_304 : i1 to i32
          %cond3A_306 = arith.constant 0 : i32
          %cond3A_307 = arith.cmpi ne, %convert_element_type3A_305, %cond3A_306 : i32
          scf.if %cond3A_307 {
            %lt3A_308 = arith.cmpi slt, %sub3A_293, %scan3A_290#3 : vector<16xi32>
            %convert_element_type3A_309 = arith.extui %lt3A_308 : vector<16xi1> to vector<16xi32>
            %swap3A_310 = arith.constant 0 : index
            %swap3A_311 = tpu.vector_load %arg16[%swap3A_310] {strides = array<i32>} : memref<16xi32, #tpu.memory_space<vmem>>, vector<16xi32>,
            tpu.vector_store %arg16[%swap3A_310], %convert_element_type3A_309 {strides = array<i32>} : memref<16xi32, #tpu.memory_space<vmem>>, vector<16xi32>,
            %mul3A_312 = arith.constant 16 : i32
            %mul3A_313 = arith.muli %arg1, %mul3A_312 : i32
            "tpu.region"() ({
              %run_scoped3A = tpu.sem_alloc : memref<!tpu.dma_semaphore, #tpu.memory_space<semaphore_mem>>
              %dma_start3A_314 = tpu.memref_slice %arg20[%mul3A_313] : memref<128xi32, #tpu.memory_space<vmem_shared>> -> memref<16xi32, #tpu.memory_space<vmem_shared>>
              %dma_start3A_315 = tpu.memref_slice %arg20[%mul3A_313] : memref<128xi32, #tpu.memory_space<vmem_shared>> -> memref<16xi32, #tpu.memory_space<vmem_shared>>
              tpu.enqueue_dma source(%arg16 : memref<16xi32, #tpu.memory_space<vmem>>) target(%dma_start3A_315 : memref<16xi32, #tpu.memory_space<vmem_shared>>) target_semaphore(%run_scoped3A : memref<!tpu.dma_semaphore, #tpu.memory_space<semaphore_mem>>)
              %dma_wait3A_316 = tpu.memref_slice %arg20[%mul3A_313] : memref<128xi32, #tpu.memory_space<vmem_shared>> -> memref<16xi32, #tpu.memory_space<vmem_shared>>
              %dma_wait3A_317 = tpu.memref_slice %arg20[%mul3A_313] : memref<128xi32, #tpu.memory_space<vmem_shared>> -> memref<16xi32, #tpu.memory_space<vmem_shared>>
              tpu.wait_dma2 semaphore(%run_scoped3A : memref<!tpu.dma_semaphore, #tpu.memory_space<semaphore_mem>>) src(%arg16 : memref<16xi32, #tpu.memory_space<vmem>>) dst(%dma_wait3A_317 : memref<16xi32, #tpu.memory_space<vmem_shared>>)
              tpu.yield
            }) : () -> ()
          } else {
          }
        } else {
        }
        %barrier3A_260 = arith.constant 0 : index
        tpu.barrier barrier_id(%barrier3A_260)
        "tpu.region"() ({
          %run_scoped3A = tpu.sem_alloc : memref<!tpu.dma_semaphore, #tpu.memory_space<semaphore_mem>>
          tpu.enqueue_dma source(%arg19 : memref<128xi32, #tpu.memory_space<vmem_shared>>) target(%arg10 : memref<128xi32, #tpu.memory_space<vmem>>) target_semaphore(%run_scoped3A : memref<!tpu.dma_semaphore, #tpu.memory_space<semaphore_mem>>)
          tpu.wait_dma2 semaphore(%run_scoped3A : memref<!tpu.dma_semaphore, #tpu.memory_space<semaphore_mem>>) src(%arg19 : memref<128xi32, #tpu.memory_space<vmem_shared>>) dst(%arg10 : memref<128xi32, #tpu.memory_space<vmem>>)
          tpu.yield
        }) : () -> ()
        %scan3A_261 = arith.constant 0 : i32
        scf.yield %scan3A_261 : i32
      }
      %scan3A_29 = arith.constant 7 : i32
      %scan3A_30 = arith.constant 0 : i32
      %scan3A_31 = arith.constant 0 : i32
      %scan3A_32 = arith.constant 8 : i32
      %scan3A_33 = arith.addi %scan3A_31, %scan3A_32 : i32
      %scan3A_34 = arith.constant 1 : i32
      %scan3A_35 = scf.for %scan3A_63 = %scan3A_31 to %scan3A_33 step %scan3A_34 iter_args(%scan3A_64 = %scan3A_30) -> (i32)  : i32 {
        %mul3A_65 = arith.constant 16 : i32
        %mul3A_66 = arith.muli %scan3A_63, %mul3A_65 : i32
        %get3A = arith.index_cast %mul3A_66 : i32 to index
        %get3A_67 = tpu.vector_load %arg10[%get3A] {strides = array<i32>} : memref<128xi32, #tpu.memory_space<vmem>>, vector<16xi32>,
        %mul3A_68 = arith.constant 16 : i32
        %mul3A_69 = arith.muli %scan3A_63, %mul3A_68 : i32
        %swap3A = arith.index_cast %mul3A_69 : i32 to index
        %swap3A_70 = tpu.vector_load %arg11[%swap3A] {strides = array<i32>} : memref<128xi32, #tpu.memory_space<vmem>>, vector<16xi32>,
        tpu.vector_store %arg11[%swap3A], %get3A_67 {strides = array<i32>} : memref<128xi32, #tpu.memory_space<vmem>>, vector<16xi32>,
        %mul3A_71 = arith.constant 16 : i32
        %mul3A_72 = arith.muli %scan3A_63, %mul3A_71 : i32
        %swap3A_73 = arith.index_cast %mul3A_72 : i32 to index
        %swap3A_74 = tpu.vector_load %arg10[%swap3A_73] {strides = array<i32>} : memref<128xi32, #tpu.memory_space<vmem>>, vector<16xi32>,
        tpu.vector_store %arg10[%swap3A_73], %broadcast_in_dim3A_3 {strides = array<i32>} : memref<128xi32, #tpu.memory_space<vmem>>, vector<16xi32>,
        %scan3A_75 = arith.constant 0 : i32
        scf.yield %scan3A_75 : i32
      }
      %scan3A_36 = arith.constant 8 : i32
      "tpu.region"() ({
        %run_scoped3A = tpu.sem_alloc : memref<!tpu.dma_semaphore, #tpu.memory_space<semaphore_mem>>
        %dma_start3A = arith.constant 0 : i32
        %dma_start3A_63 = tpu.memref_slice %arg15[%dma_start3A] : memref<256xi32, #tpu.memory_space<vmem>> -> memref<128xi32, #tpu.memory_space<vmem>>
        %dma_start3A_64 = arith.constant 0 : i32
        %dma_start3A_65 = tpu.memref_slice %arg15[%dma_start3A_64] : memref<256xi32, #tpu.memory_space<vmem>> -> memref<128xi32, #tpu.memory_space<vmem>>
        tpu.enqueue_dma source(%arg20 : memref<128xi32, #tpu.memory_space<vmem_shared>>) target(%dma_start3A_65 : memref<128xi32, #tpu.memory_space<vmem>>) target_semaphore(%run_scoped3A : memref<!tpu.dma_semaphore, #tpu.memory_space<semaphore_mem>>)
        %dma_wait3A = arith.constant 0 : i32
        %dma_wait3A_66 = tpu.memref_slice %arg15[%dma_wait3A] : memref<256xi32, #tpu.memory_space<vmem>> -> memref<128xi32, #tpu.memory_space<vmem>>
        %dma_wait3A_67 = arith.constant 0 : i32
        %dma_wait3A_68 = tpu.memref_slice %arg15[%dma_wait3A_67] : memref<256xi32, #tpu.memory_space<vmem>> -> memref<128xi32, #tpu.memory_space<vmem>>
        tpu.wait_dma2 semaphore(%run_scoped3A : memref<!tpu.dma_semaphore, #tpu.memory_space<semaphore_mem>>) src(%arg20 : memref<128xi32, #tpu.memory_space<vmem_shared>>) dst(%dma_wait3A_68 : memref<128xi32, #tpu.memory_space<vmem>>)
        tpu.yield
      }) : () -> ()
      %scan3A_37 = arith.constant 0 : i32
      %scan3A_38 = arith.constant 8 : i32
      %scan3A_39 = arith.addi %scan3A_37, %scan3A_38 : i32
      %scan3A_40 = arith.constant 1 : i32
      %scan3A_41 = scf.for %scan3A_63 = %scan3A_37 to %scan3A_39 step %scan3A_40 iter_args(%scan3A_64 = %broadcast_in_dim3A_3) -> (vector<16xi32>)  : i32 {
        %mul3A_65 = arith.constant 16 : i32
        %mul3A_66 = arith.muli %scan3A_63, %mul3A_65 : i32
        %get3A = arith.index_cast %mul3A_66 : i32 to index
        %get3A_67 = tpu.vector_load %arg15[%get3A] {strides = array<i32>} : memref<256xi32, #tpu.memory_space<vmem>>, vector<16xi32>,
        %or3A = arith.ori %scan3A_64, %get3A_67 : vector<16xi32>
        scf.yield %or3A : vector<16xi32>
      }
      %scan3A_42 = arith.constant 8 : i32
      %reduce_max3A = arith.constant true
      %reduce_max3A_43 = vector.broadcast %reduce_max3A : i1 to vector<16xi1>
      %reduce_max3A_44 = arith.constant -2147483648 : i32
      %reduce_max3A_45 = vector.broadcast %reduce_max3A_44 : i32 to vector<16xi32>
      %reduce_max3A_46 = arith.xori %scan3A_41, %reduce_max3A_45 : vector<16xi32>
      %reduce_max3A_47 = tpu.scan <max>, %reduce_max3A_46 masked %reduce_max3A_43 : vector<16xi32>, vector<16xi1> -> vector<16xi32>
      %reduce_max3A_48 = arith.xori %reduce_max3A_47, %reduce_max3A_45 : vector<16xi32>
      %reduce_max3A_49 = vector.extract %reduce_max3A_48[15] : i32 from vector<16xi32>
      %gt3A = arith.constant 0 : i32
      %gt3A_50 = arith.cmpi sgt, %reduce_max3A_49, %gt3A : i32
      %convert_element_type3A_51 = arith.extui %gt3A_50 : i1 to i32
      %cond3A_52 = arith.constant 0 : i32
      %cond3A_53 = arith.constant 0 : i32
      %cond3A_54 = arith.cmpi ne, %convert_element_type3A_51, %cond3A_53 : i32
      %cond3A_55 = scf.if %cond3A_54 -> (i32) {
        %scan3A_63 = arith.constant 0 : i32
        %scan3A_64 = arith.constant 0 : i32
        %scan3A_65 = arith.constant 4 : i32
        %scan3A_66 = arith.addi %scan3A_64, %scan3A_65 : i32
        %scan3A_67 = arith.constant 1 : i32
        %scan3A_68 = scf.for %scan3A_71 = %scan3A_64 to %scan3A_66 step %scan3A_67 iter_args(%scan3A_72 = %scan3A_63) -> (i32)  : i32 {
          %mul3A_73 = arith.constant 4 : i32
          %mul3A_74 = arith.muli %mul3A_73, %scan3A_71 : i32
          %sub3A = arith.constant 12 : i32
          %sub3A_75 = arith.subi %sub3A, %mul3A_74 : i32
          %scan3A_76 = arith.constant 0 : i32
          %scan3A_77 = arith.constant 0 : i32
          %scan3A_78 = arith.constant 64 : i32
          %scan3A_79 = arith.addi %scan3A_77, %scan3A_78 : i32
          %scan3A_80 = arith.constant 1 : i32
          %scan3A_81 = scf.for %scan3A_270 = %scan3A_77 to %scan3A_79 step %scan3A_80 iter_args(%scan3A_271 = %scan3A_76) -> (i32)  : i32 {
            %mul3A_272 = arith.constant 16 : i32
            %mul3A_273 = arith.muli %scan3A_270, %mul3A_272 : i32
            %get3A = arith.index_cast %mul3A_273 : i32 to index
            %get3A_274 = tpu.vector_load %arg6[%get3A] {strides = array<i32>} : memref<1024xi32, #tpu.memory_space<vmem>>, vector<16xi32>,
            %get3A_275 = arith.index_cast %mul3A_273 : i32 to index
            %get3A_276 = tpu.vector_load %arg7[%get3A_275] {strides = array<i32>} : memref<1024xi32, #tpu.memory_space<vmem>>, vector<16xi32>,
            %sub3A_277 = arith.constant 1006632960 : i32
            %sub3A_278 = vector.broadcast %sub3A_277 : i32 to vector<16xi32>
            %sub3A_279 = arith.subi %get3A_274, %sub3A_278 : vector<16xi32>
            %ge3A = arith.constant 0 : i32
            %ge3A_280 = vector.broadcast %ge3A : i32 to vector<16xi32>
            %ge3A_281 = arith.cmpi sge, %get3A_274, %ge3A_280 : vector<16xi32>
            %gather3A = tpu.vector_load_idx %arg11[%get3A_276] : memref<128xi32, #tpu.memory_space<vmem>>[vector<16xi32>], vector<16xi32>,
            %gather3A_282 = tpu.vector_load_idx %arg10[%get3A_276] : memref<128xi32, #tpu.memory_space<vmem>>[vector<16xi32>], vector<16xi32>,
            %add3A_283 = arith.addi %mul3A_2, %mul3A_273 : i32
            %add3A_284 = vector.broadcast %add3A_283 : i32 to vector<16xi32>
            %add3A_285 = arith.addi %add3A_284, %iota3A : vector<16xi32>
            %eq3A_286 = arith.cmpi eq, %sub3A_279, %gather3A : vector<16xi32>
            %and3A = arith.andi %ge3A_281, %eq3A_286 : vector<16xi1>
            %add3A_287 = arith.constant 4 : i32
            %add3A_288 = arith.addi %sub3A_75, %add3A_287 : i32
            %shift_right_arithmetic3A = vector.broadcast %add3A_288 : i32 to vector<16xi32>
            %shift_right_arithmetic3A_289 = arith.shrsi %add3A_285, %shift_right_arithmetic3A : vector<16xi32>
            %eq3A_290 = arith.cmpi eq, %shift_right_arithmetic3A_289, %gather3A_282 : vector<16xi32>
            %and3A_291 = arith.andi %and3A, %eq3A_290 : vector<16xi1>
            %shift_right_arithmetic3A_292 = vector.broadcast %sub3A_75 : i32 to vector<16xi32>
            %shift_right_arithmetic3A_293 = arith.shrsi %add3A_285, %shift_right_arithmetic3A_292 : vector<16xi32>
            %and3A_294 = arith.constant 15 : i32
            %and3A_295 = vector.broadcast %and3A_294 : i32 to vector<16xi32>
            %and3A_296 = arith.andi %shift_right_arithmetic3A_293, %and3A_295 : vector<16xi32>
            %shift_right_logical3A = arith.constant 4 : i32
            %shift_right_logical3A_297 = vector.broadcast %shift_right_logical3A : i32 to vector<16xi32>
            %shift_right_logical3A_298 = arith.shrui %get3A_276, %shift_right_logical3A_297 : vector<16xi32>
            %mul3A_299 = arith.constant 256 : i32
            %mul3A_300 = vector.broadcast %mul3A_299 : i32 to vector<16xi32>
            %mul3A_301 = arith.muli %shift_right_logical3A_298, %mul3A_300 : vector<16xi32>
            %mul3A_302 = arith.constant 16 : i32
            %mul3A_303 = vector.broadcast %mul3A_302 : i32 to vector<16xi32>
            %mul3A_304 = arith.muli %and3A_296, %mul3A_303 : vector<16xi32>
            %add3A_305 = arith.addi %mul3A_301, %mul3A_304 : vector<16xi32>
            %and3A_306 = arith.constant 15 : i32
            %and3A_307 = vector.broadcast %and3A_306 : i32 to vector<16xi32>
            %and3A_308 = arith.andi %get3A_276, %and3A_307 : vector<16xi32>
            %add3A_309 = arith.addi %add3A_305, %and3A_308 : vector<16xi32>
            tpu.vector_store_idx %arg9[%add3A_309], %broadcast_in_dim3A_5 masked %and3A_291 {add = true} : memref<2048xi32, #tpu.memory_space<vmem>>[vector<16xi32>], vector<16xi32>, vector<16xi1>
            %scan3A_310 = arith.constant 0 : i32
            scf.yield %scan3A_310 : i32
          }
          %scan3A_82 = arith.constant 64 : i32
          %add3A = arith.constant 0 : i32
          %add3A_83 = arith.addi %add3A, %arg1 : i32
          %dma_start3A = arith.constant 0 : i32
          %dma_start3A_84 = tpu.memref_slice %arg9[%dma_start3A] : memref<2048xi32, #tpu.memory_space<vmem>> -> memref<256xi32, #tpu.memory_space<vmem>>
          %dma_start3A_85 = arith.constant 0 : i32
          %dma_start3A_86 = tpu.memref_slice %arg17[%add3A_83, %dma_start3A_85] : memref<128x256xi32, #tpu.memory_space<vmem_shared>> -> memref<1x256xi32, #tpu.memory_space<vmem_shared>>
          %dma_start3A_87 = tpu.memref_squeeze %dma_start3A_86 : memref<1x256xi32, #tpu.memory_space<vmem_shared>> -> memref<256xi32, #tpu.memory_space<vmem_shared>>
          %dma_start3A_88 = arith.constant 0 : i32
          %dma_start3A_89 = tpu.memref_slice %arg17[%add3A_83, %dma_start3A_88] : memref<128x256xi32, #tpu.memory_space<vmem_shared>> -> memref<1x256xi32, #tpu.memory_space<vmem_shared>>
          %dma_start3A_90 = tpu.memref_squeeze %dma_start3A_89 : memref<1x256xi32, #tpu.memory_space<vmem_shared>> -> memref<256xi32, #tpu.memory_space<vmem_shared>>
          %dma_start3A_91 = arith.constant 0 : i32
          %dma_start3A_92 = tpu.memref_slice %arg9[%dma_start3A_91] : memref<2048xi32, #tpu.memory_space<vmem>> -> memref<256xi32, #tpu.memory_space<vmem>>
          tpu.enqueue_dma source(%dma_start3A_92 : memref<256xi32, #tpu.memory_space<vmem>>) target(%dma_start3A_90 : memref<256xi32, #tpu.memory_space<vmem_shared>>) target_semaphore(%arg18 : memref<!tpu.dma_semaphore, #tpu.memory_space<semaphore_mem>>)
          %add3A_93 = arith.constant 16 : i32
          %add3A_94 = arith.addi %add3A_93, %arg1 : i32
          %dma_start3A_95 = arith.constant 256 : i32
          %dma_start3A_96 = tpu.memref_slice %arg9[%dma_start3A_95] : memref<2048xi32, #tpu.memory_space<vmem>> -> memref<256xi32, #tpu.memory_space<vmem>>
          %dma_start3A_97 = arith.constant 0 : i32
          %dma_start3A_98 = tpu.memref_slice %arg17[%add3A_94, %dma_start3A_97] : memref<128x256xi32, #tpu.memory_space<vmem_shared>> -> memref<1x256xi32, #tpu.memory_space<vmem_shared>>
          %dma_start3A_99 = tpu.memref_squeeze %dma_start3A_98 : memref<1x256xi32, #tpu.memory_space<vmem_shared>> -> memref<256xi32, #tpu.memory_space<vmem_shared>>
          %dma_start3A_100 = arith.constant 0 : i32
          %dma_start3A_101 = tpu.memref_slice %arg17[%add3A_94, %dma_start3A_100] : memref<128x256xi32, #tpu.memory_space<vmem_shared>> -> memref<1x256xi32, #tpu.memory_space<vmem_shared>>
          %dma_start3A_102 = tpu.memref_squeeze %dma_start3A_101 : memref<1x256xi32, #tpu.memory_space<vmem_shared>> -> memref<256xi32, #tpu.memory_space<vmem_shared>>
          %dma_start3A_103 = arith.constant 256 : i32
          %dma_start3A_104 = tpu.memref_slice %arg9[%dma_start3A_103] : memref<2048xi32, #tpu.memory_space<vmem>> -> memref<256xi32, #tpu.memory_space<vmem>>
          tpu.enqueue_dma source(%dma_start3A_104 : memref<256xi32, #tpu.memory_space<vmem>>) target(%dma_start3A_102 : memref<256xi32, #tpu.memory_space<vmem_shared>>) target_semaphore(%arg18 : memref<!tpu.dma_semaphore, #tpu.memory_space<semaphore_mem>>)
          %add3A_105 = arith.constant 32 : i32
          %add3A_106 = arith.addi %add3A_105, %arg1 : i32
          %dma_start3A_107 = arith.constant 512 : i32
          %dma_start3A_108 = tpu.memref_slice %arg9[%dma_start3A_107] : memref<2048xi32, #tpu.memory_space<vmem>> -> memref<256xi32, #tpu.memory_space<vmem>>
          %dma_start3A_109 = arith.constant 0 : i32
          %dma_start3A_110 = tpu.memref_slice %arg17[%add3A_106, %dma_start3A_109] : memref<128x256xi32, #tpu.memory_space<vmem_shared>> -> memref<1x256xi32, #tpu.memory_space<vmem_shared>>
          %dma_start3A_111 = tpu.memref_squeeze %dma_start3A_110 : memref<1x256xi32, #tpu.memory_space<vmem_shared>> -> memref<256xi32, #tpu.memory_space<vmem_shared>>
          %dma_start3A_112 = arith.constant 0 : i32
          %dma_start3A_113 = tpu.memref_slice %arg17[%add3A_106, %dma_start3A_112] : memref<128x256xi32, #tpu.memory_space<vmem_shared>> -> memref<1x256xi32, #tpu.memory_space<vmem_shared>>
          %dma_start3A_114 = tpu.memref_squeeze %dma_start3A_113 : memref<1x256xi32, #tpu.memory_space<vmem_shared>> -> memref<256xi32, #tpu.memory_space<vmem_shared>>
          %dma_start3A_115 = arith.constant 512 : i32
          %dma_start3A_116 = tpu.memref_slice %arg9[%dma_start3A_115] : memref<2048xi32, #tpu.memory_space<vmem>> -> memref<256xi32, #tpu.memory_space<vmem>>
          tpu.enqueue_dma source(%dma_start3A_116 : memref<256xi32, #tpu.memory_space<vmem>>) target(%dma_start3A_114 : memref<256xi32, #tpu.memory_space<vmem_shared>>) target_semaphore(%arg18 : memref<!tpu.dma_semaphore, #tpu.memory_space<semaphore_mem>>)
          %add3A_117 = arith.constant 48 : i32
          %add3A_118 = arith.addi %add3A_117, %arg1 : i32
          %dma_start3A_119 = arith.constant 768 : i32
          %dma_start3A_120 = tpu.memref_slice %arg9[%dma_start3A_119] : memref<2048xi32, #tpu.memory_space<vmem>> -> memref<256xi32, #tpu.memory_space<vmem>>
          %dma_start3A_121 = arith.constant 0 : i32
          %dma_start3A_122 = tpu.memref_slice %arg17[%add3A_118, %dma_start3A_121] : memref<128x256xi32, #tpu.memory_space<vmem_shared>> -> memref<1x256xi32, #tpu.memory_space<vmem_shared>>
          %dma_start3A_123 = tpu.memref_squeeze %dma_start3A_122 : memref<1x256xi32, #tpu.memory_space<vmem_shared>> -> memref<256xi32, #tpu.memory_space<vmem_shared>>
          %dma_start3A_124 = arith.constant 0 : i32
          %dma_start3A_125 = tpu.memref_slice %arg17[%add3A_118, %dma_start3A_124] : memref<128x256xi32, #tpu.memory_space<vmem_shared>> -> memref<1x256xi32, #tpu.memory_space<vmem_shared>>
          %dma_start3A_126 = tpu.memref_squeeze %dma_start3A_125 : memref<1x256xi32, #tpu.memory_space<vmem_shared>> -> memref<256xi32, #tpu.memory_space<vmem_shared>>
          %dma_start3A_127 = arith.constant 768 : i32
          %dma_start3A_128 = tpu.memref_slice %arg9[%dma_start3A_127] : memref<2048xi32, #tpu.memory_space<vmem>> -> memref<256xi32, #tpu.memory_space<vmem>>
          tpu.enqueue_dma source(%dma_start3A_128 : memref<256xi32, #tpu.memory_space<vmem>>) target(%dma_start3A_126 : memref<256xi32, #tpu.memory_space<vmem_shared>>) target_semaphore(%arg18 : memref<!tpu.dma_semaphore, #tpu.memory_space<semaphore_mem>>)
          %add3A_129 = arith.constant 64 : i32
          %add3A_130 = arith.addi %add3A_129, %arg1 : i32
          %dma_start3A_131 = arith.constant 1024 : i32
          %dma_start3A_132 = tpu.memref_slice %arg9[%dma_start3A_131] : memref<2048xi32, #tpu.memory_space<vmem>> -> memref<256xi32, #tpu.memory_space<vmem>>
          %dma_start3A_133 = arith.constant 0 : i32
          %dma_start3A_134 = tpu.memref_slice %arg17[%add3A_130, %dma_start3A_133] : memref<128x256xi32, #tpu.memory_space<vmem_shared>> -> memref<1x256xi32, #tpu.memory_space<vmem_shared>>
          %dma_start3A_135 = tpu.memref_squeeze %dma_start3A_134 : memref<1x256xi32, #tpu.memory_space<vmem_shared>> -> memref<256xi32, #tpu.memory_space<vmem_shared>>
          %dma_start3A_136 = arith.constant 0 : i32
          %dma_start3A_137 = tpu.memref_slice %arg17[%add3A_130, %dma_start3A_136] : memref<128x256xi32, #tpu.memory_space<vmem_shared>> -> memref<1x256xi32, #tpu.memory_space<vmem_shared>>
          %dma_start3A_138 = tpu.memref_squeeze %dma_start3A_137 : memref<1x256xi32, #tpu.memory_space<vmem_shared>> -> memref<256xi32, #tpu.memory_space<vmem_shared>>
          %dma_start3A_139 = arith.constant 1024 : i32
          %dma_start3A_140 = tpu.memref_slice %arg9[%dma_start3A_139] : memref<2048xi32, #tpu.memory_space<vmem>> -> memref<256xi32, #tpu.memory_space<vmem>>
          tpu.enqueue_dma source(%dma_start3A_140 : memref<256xi32, #tpu.memory_space<vmem>>) target(%dma_start3A_138 : memref<256xi32, #tpu.memory_space<vmem_shared>>) target_semaphore(%arg18 : memref<!tpu.dma_semaphore, #tpu.memory_space<semaphore_mem>>)
          %add3A_141 = arith.constant 80 : i32
          %add3A_142 = arith.addi %add3A_141, %arg1 : i32
          %dma_start3A_143 = arith.constant 1280 : i32
          %dma_start3A_144 = tpu.memref_slice %arg9[%dma_start3A_143] : memref<2048xi32, #tpu.memory_space<vmem>> -> memref<256xi32, #tpu.memory_space<vmem>>
          %dma_start3A_145 = arith.constant 0 : i32
          %dma_start3A_146 = tpu.memref_slice %arg17[%add3A_142, %dma_start3A_145] : memref<128x256xi32, #tpu.memory_space<vmem_shared>> -> memref<1x256xi32, #tpu.memory_space<vmem_shared>>
          %dma_start3A_147 = tpu.memref_squeeze %dma_start3A_146 : memref<1x256xi32, #tpu.memory_space<vmem_shared>> -> memref<256xi32, #tpu.memory_space<vmem_shared>>
          %dma_start3A_148 = arith.constant 0 : i32
          %dma_start3A_149 = tpu.memref_slice %arg17[%add3A_142, %dma_start3A_148] : memref<128x256xi32, #tpu.memory_space<vmem_shared>> -> memref<1x256xi32, #tpu.memory_space<vmem_shared>>
          %dma_start3A_150 = tpu.memref_squeeze %dma_start3A_149 : memref<1x256xi32, #tpu.memory_space<vmem_shared>> -> memref<256xi32, #tpu.memory_space<vmem_shared>>
          %dma_start3A_151 = arith.constant 1280 : i32
          %dma_start3A_152 = tpu.memref_slice %arg9[%dma_start3A_151] : memref<2048xi32, #tpu.memory_space<vmem>> -> memref<256xi32, #tpu.memory_space<vmem>>
          tpu.enqueue_dma source(%dma_start3A_152 : memref<256xi32, #tpu.memory_space<vmem>>) target(%dma_start3A_150 : memref<256xi32, #tpu.memory_space<vmem_shared>>) target_semaphore(%arg18 : memref<!tpu.dma_semaphore, #tpu.memory_space<semaphore_mem>>)
          %add3A_153 = arith.constant 96 : i32
          %add3A_154 = arith.addi %add3A_153, %arg1 : i32
          %dma_start3A_155 = arith.constant 1536 : i32
          %dma_start3A_156 = tpu.memref_slice %arg9[%dma_start3A_155] : memref<2048xi32, #tpu.memory_space<vmem>> -> memref<256xi32, #tpu.memory_space<vmem>>
          %dma_start3A_157 = arith.constant 0 : i32
          %dma_start3A_158 = tpu.memref_slice %arg17[%add3A_154, %dma_start3A_157] : memref<128x256xi32, #tpu.memory_space<vmem_shared>> -> memref<1x256xi32, #tpu.memory_space<vmem_shared>>
          %dma_start3A_159 = tpu.memref_squeeze %dma_start3A_158 : memref<1x256xi32, #tpu.memory_space<vmem_shared>> -> memref<256xi32, #tpu.memory_space<vmem_shared>>
          %dma_start3A_160 = arith.constant 0 : i32
          %dma_start3A_161 = tpu.memref_slice %arg17[%add3A_154, %dma_start3A_160] : memref<128x256xi32, #tpu.memory_space<vmem_shared>> -> memref<1x256xi32, #tpu.memory_space<vmem_shared>>
          %dma_start3A_162 = tpu.memref_squeeze %dma_start3A_161 : memref<1x256xi32, #tpu.memory_space<vmem_shared>> -> memref<256xi32, #tpu.memory_space<vmem_shared>>
          %dma_start3A_163 = arith.constant 1536 : i32
          %dma_start3A_164 = tpu.memref_slice %arg9[%dma_start3A_163] : memref<2048xi32, #tpu.memory_space<vmem>> -> memref<256xi32, #tpu.memory_space<vmem>>
          tpu.enqueue_dma source(%dma_start3A_164 : memref<256xi32, #tpu.memory_space<vmem>>) target(%dma_start3A_162 : memref<256xi32, #tpu.memory_space<vmem_shared>>) target_semaphore(%arg18 : memref<!tpu.dma_semaphore, #tpu.memory_space<semaphore_mem>>)
          %add3A_165 = arith.constant 112 : i32
          %add3A_166 = arith.addi %add3A_165, %arg1 : i32
          %dma_start3A_167 = arith.constant 1792 : i32
          %dma_start3A_168 = tpu.memref_slice %arg9[%dma_start3A_167] : memref<2048xi32, #tpu.memory_space<vmem>> -> memref<256xi32, #tpu.memory_space<vmem>>
          %dma_start3A_169 = arith.constant 0 : i32
          %dma_start3A_170 = tpu.memref_slice %arg17[%add3A_166, %dma_start3A_169] : memref<128x256xi32, #tpu.memory_space<vmem_shared>> -> memref<1x256xi32, #tpu.memory_space<vmem_shared>>
          %dma_start3A_171 = tpu.memref_squeeze %dma_start3A_170 : memref<1x256xi32, #tpu.memory_space<vmem_shared>> -> memref<256xi32, #tpu.memory_space<vmem_shared>>
          %dma_start3A_172 = arith.constant 0 : i32
          %dma_start3A_173 = tpu.memref_slice %arg17[%add3A_166, %dma_start3A_172] : memref<128x256xi32, #tpu.memory_space<vmem_shared>> -> memref<1x256xi32, #tpu.memory_space<vmem_shared>>
          %dma_start3A_174 = tpu.memref_squeeze %dma_start3A_173 : memref<1x256xi32, #tpu.memory_space<vmem_shared>> -> memref<256xi32, #tpu.memory_space<vmem_shared>>
          %dma_start3A_175 = arith.constant 1792 : i32
          %dma_start3A_176 = tpu.memref_slice %arg9[%dma_start3A_175] : memref<2048xi32, #tpu.memory_space<vmem>> -> memref<256xi32, #tpu.memory_space<vmem>>
          tpu.enqueue_dma source(%dma_start3A_176 : memref<256xi32, #tpu.memory_space<vmem>>) target(%dma_start3A_174 : memref<256xi32, #tpu.memory_space<vmem_shared>>) target_semaphore(%arg18 : memref<!tpu.dma_semaphore, #tpu.memory_space<semaphore_mem>>)
          %dma_wait3A = arith.constant 0 : i32
          %dma_wait3A_177 = tpu.memref_slice %arg9[%dma_wait3A] : memref<2048xi32, #tpu.memory_space<vmem>> -> memref<256xi32, #tpu.memory_space<vmem>>
          %dma_wait3A_178 = arith.constant 0 : i32
          %dma_wait3A_179 = tpu.memref_slice %arg17[%add3A_83, %dma_wait3A_178] : memref<128x256xi32, #tpu.memory_space<vmem_shared>> -> memref<1x256xi32, #tpu.memory_space<vmem_shared>>
          %dma_wait3A_180 = tpu.memref_squeeze %dma_wait3A_179 : memref<1x256xi32, #tpu.memory_space<vmem_shared>> -> memref<256xi32, #tpu.memory_space<vmem_shared>>
          %dma_wait3A_181 = arith.constant 0 : i32
          %dma_wait3A_182 = tpu.memref_slice %arg17[%add3A_83, %dma_wait3A_181] : memref<128x256xi32, #tpu.memory_space<vmem_shared>> -> memref<1x256xi32, #tpu.memory_space<vmem_shared>>
          %dma_wait3A_183 = tpu.memref_squeeze %dma_wait3A_182 : memref<1x256xi32, #tpu.memory_space<vmem_shared>> -> memref<256xi32, #tpu.memory_space<vmem_shared>>
          %dma_wait3A_184 = arith.constant 0 : i32
          %dma_wait3A_185 = tpu.memref_slice %arg9[%dma_wait3A_184] : memref<2048xi32, #tpu.memory_space<vmem>> -> memref<256xi32, #tpu.memory_space<vmem>>
          tpu.wait_dma2 semaphore(%arg18 : memref<!tpu.dma_semaphore, #tpu.memory_space<semaphore_mem>>) src(%dma_wait3A_185 : memref<256xi32, #tpu.memory_space<vmem>>) dst(%dma_wait3A_183 : memref<256xi32, #tpu.memory_space<vmem_shared>>)
          %dma_wait3A_186 = arith.constant 256 : i32
          %dma_wait3A_187 = tpu.memref_slice %arg9[%dma_wait3A_186] : memref<2048xi32, #tpu.memory_space<vmem>> -> memref<256xi32, #tpu.memory_space<vmem>>
          %dma_wait3A_188 = arith.constant 0 : i32
          %dma_wait3A_189 = tpu.memref_slice %arg17[%add3A_94, %dma_wait3A_188] : memref<128x256xi32, #tpu.memory_space<vmem_shared>> -> memref<1x256xi32, #tpu.memory_space<vmem_shared>>
          %dma_wait3A_190 = tpu.memref_squeeze %dma_wait3A_189 : memref<1x256xi32, #tpu.memory_space<vmem_shared>> -> memref<256xi32, #tpu.memory_space<vmem_shared>>
          %dma_wait3A_191 = arith.constant 0 : i32
          %dma_wait3A_192 = tpu.memref_slice %arg17[%add3A_94, %dma_wait3A_191] : memref<128x256xi32, #tpu.memory_space<vmem_shared>> -> memref<1x256xi32, #tpu.memory_space<vmem_shared>>
          %dma_wait3A_193 = tpu.memref_squeeze %dma_wait3A_192 : memref<1x256xi32, #tpu.memory_space<vmem_shared>> -> memref<256xi32, #tpu.memory_space<vmem_shared>>
          %dma_wait3A_194 = arith.constant 256 : i32
          %dma_wait3A_195 = tpu.memref_slice %arg9[%dma_wait3A_194] : memref<2048xi32, #tpu.memory_space<vmem>> -> memref<256xi32, #tpu.memory_space<vmem>>
          tpu.wait_dma2 semaphore(%arg18 : memref<!tpu.dma_semaphore, #tpu.memory_space<semaphore_mem>>) src(%dma_wait3A_195 : memref<256xi32, #tpu.memory_space<vmem>>) dst(%dma_wait3A_193 : memref<256xi32, #tpu.memory_space<vmem_shared>>)
          %dma_wait3A_196 = arith.constant 512 : i32
          %dma_wait3A_197 = tpu.memref_slice %arg9[%dma_wait3A_196] : memref<2048xi32, #tpu.memory_space<vmem>> -> memref<256xi32, #tpu.memory_space<vmem>>
          %dma_wait3A_198 = arith.constant 0 : i32
          %dma_wait3A_199 = tpu.memref_slice %arg17[%add3A_106, %dma_wait3A_198] : memref<128x256xi32, #tpu.memory_space<vmem_shared>> -> memref<1x256xi32, #tpu.memory_space<vmem_shared>>
          %dma_wait3A_200 = tpu.memref_squeeze %dma_wait3A_199 : memref<1x256xi32, #tpu.memory_space<vmem_shared>> -> memref<256xi32, #tpu.memory_space<vmem_shared>>
          %dma_wait3A_201 = arith.constant 0 : i32
          %dma_wait3A_202 = tpu.memref_slice %arg17[%add3A_106, %dma_wait3A_201] : memref<128x256xi32, #tpu.memory_space<vmem_shared>> -> memref<1x256xi32, #tpu.memory_space<vmem_shared>>
          %dma_wait3A_203 = tpu.memref_squeeze %dma_wait3A_202 : memref<1x256xi32, #tpu.memory_space<vmem_shared>> -> memref<256xi32, #tpu.memory_space<vmem_shared>>
          %dma_wait3A_204 = arith.constant 512 : i32
          %dma_wait3A_205 = tpu.memref_slice %arg9[%dma_wait3A_204] : memref<2048xi32, #tpu.memory_space<vmem>> -> memref<256xi32, #tpu.memory_space<vmem>>
          tpu.wait_dma2 semaphore(%arg18 : memref<!tpu.dma_semaphore, #tpu.memory_space<semaphore_mem>>) src(%dma_wait3A_205 : memref<256xi32, #tpu.memory_space<vmem>>) dst(%dma_wait3A_203 : memref<256xi32, #tpu.memory_space<vmem_shared>>)
          %dma_wait3A_206 = arith.constant 768 : i32
          %dma_wait3A_207 = tpu.memref_slice %arg9[%dma_wait3A_206] : memref<2048xi32, #tpu.memory_space<vmem>> -> memref<256xi32, #tpu.memory_space<vmem>>
          %dma_wait3A_208 = arith.constant 0 : i32
          %dma_wait3A_209 = tpu.memref_slice %arg17[%add3A_118, %dma_wait3A_208] : memref<128x256xi32, #tpu.memory_space<vmem_shared>> -> memref<1x256xi32, #tpu.memory_space<vmem_shared>>
          %dma_wait3A_210 = tpu.memref_squeeze %dma_wait3A_209 : memref<1x256xi32, #tpu.memory_space<vmem_shared>> -> memref<256xi32, #tpu.memory_space<vmem_shared>>
          %dma_wait3A_211 = arith.constant 0 : i32
          %dma_wait3A_212 = tpu.memref_slice %arg17[%add3A_118, %dma_wait3A_211] : memref<128x256xi32, #tpu.memory_space<vmem_shared>> -> memref<1x256xi32, #tpu.memory_space<vmem_shared>>
          %dma_wait3A_213 = tpu.memref_squeeze %dma_wait3A_212 : memref<1x256xi32, #tpu.memory_space<vmem_shared>> -> memref<256xi32, #tpu.memory_space<vmem_shared>>
          %dma_wait3A_214 = arith.constant 768 : i32
          %dma_wait3A_215 = tpu.memref_slice %arg9[%dma_wait3A_214] : memref<2048xi32, #tpu.memory_space<vmem>> -> memref<256xi32, #tpu.memory_space<vmem>>
          tpu.wait_dma2 semaphore(%arg18 : memref<!tpu.dma_semaphore, #tpu.memory_space<semaphore_mem>>) src(%dma_wait3A_215 : memref<256xi32, #tpu.memory_space<vmem>>) dst(%dma_wait3A_213 : memref<256xi32, #tpu.memory_space<vmem_shared>>)
          %dma_wait3A_216 = arith.constant 1024 : i32
          %dma_wait3A_217 = tpu.memref_slice %arg9[%dma_wait3A_216] : memref<2048xi32, #tpu.memory_space<vmem>> -> memref<256xi32, #tpu.memory_space<vmem>>
          %dma_wait3A_218 = arith.constant 0 : i32
          %dma_wait3A_219 = tpu.memref_slice %arg17[%add3A_130, %dma_wait3A_218] : memref<128x256xi32, #tpu.memory_space<vmem_shared>> -> memref<1x256xi32, #tpu.memory_space<vmem_shared>>
          %dma_wait3A_220 = tpu.memref_squeeze %dma_wait3A_219 : memref<1x256xi32, #tpu.memory_space<vmem_shared>> -> memref<256xi32, #tpu.memory_space<vmem_shared>>
          %dma_wait3A_221 = arith.constant 0 : i32
          %dma_wait3A_222 = tpu.memref_slice %arg17[%add3A_130, %dma_wait3A_221] : memref<128x256xi32, #tpu.memory_space<vmem_shared>> -> memref<1x256xi32, #tpu.memory_space<vmem_shared>>
          %dma_wait3A_223 = tpu.memref_squeeze %dma_wait3A_222 : memref<1x256xi32, #tpu.memory_space<vmem_shared>> -> memref<256xi32, #tpu.memory_space<vmem_shared>>
          %dma_wait3A_224 = arith.constant 1024 : i32
          %dma_wait3A_225 = tpu.memref_slice %arg9[%dma_wait3A_224] : memref<2048xi32, #tpu.memory_space<vmem>> -> memref<256xi32, #tpu.memory_space<vmem>>
          tpu.wait_dma2 semaphore(%arg18 : memref<!tpu.dma_semaphore, #tpu.memory_space<semaphore_mem>>) src(%dma_wait3A_225 : memref<256xi32, #tpu.memory_space<vmem>>) dst(%dma_wait3A_223 : memref<256xi32, #tpu.memory_space<vmem_shared>>)
          %dma_wait3A_226 = arith.constant 1280 : i32
          %dma_wait3A_227 = tpu.memref_slice %arg9[%dma_wait3A_226] : memref<2048xi32, #tpu.memory_space<vmem>> -> memref<256xi32, #tpu.memory_space<vmem>>
          %dma_wait3A_228 = arith.constant 0 : i32
          %dma_wait3A_229 = tpu.memref_slice %arg17[%add3A_142, %dma_wait3A_228] : memref<128x256xi32, #tpu.memory_space<vmem_shared>> -> memref<1x256xi32, #tpu.memory_space<vmem_shared>>
          %dma_wait3A_230 = tpu.memref_squeeze %dma_wait3A_229 : memref<1x256xi32, #tpu.memory_space<vmem_shared>> -> memref<256xi32, #tpu.memory_space<vmem_shared>>
          %dma_wait3A_231 = arith.constant 0 : i32
          %dma_wait3A_232 = tpu.memref_slice %arg17[%add3A_142, %dma_wait3A_231] : memref<128x256xi32, #tpu.memory_space<vmem_shared>> -> memref<1x256xi32, #tpu.memory_space<vmem_shared>>
          %dma_wait3A_233 = tpu.memref_squeeze %dma_wait3A_232 : memref<1x256xi32, #tpu.memory_space<vmem_shared>> -> memref<256xi32, #tpu.memory_space<vmem_shared>>
          %dma_wait3A_234 = arith.constant 1280 : i32
          %dma_wait3A_235 = tpu.memref_slice %arg9[%dma_wait3A_234] : memref<2048xi32, #tpu.memory_space<vmem>> -> memref<256xi32, #tpu.memory_space<vmem>>
          tpu.wait_dma2 semaphore(%arg18 : memref<!tpu.dma_semaphore, #tpu.memory_space<semaphore_mem>>) src(%dma_wait3A_235 : memref<256xi32, #tpu.memory_space<vmem>>) dst(%dma_wait3A_233 : memref<256xi32, #tpu.memory_space<vmem_shared>>)
          %dma_wait3A_236 = arith.constant 1536 : i32
          %dma_wait3A_237 = tpu.memref_slice %arg9[%dma_wait3A_236] : memref<2048xi32, #tpu.memory_space<vmem>> -> memref<256xi32, #tpu.memory_space<vmem>>
          %dma_wait3A_238 = arith.constant 0 : i32
          %dma_wait3A_239 = tpu.memref_slice %arg17[%add3A_154, %dma_wait3A_238] : memref<128x256xi32, #tpu.memory_space<vmem_shared>> -> memref<1x256xi32, #tpu.memory_space<vmem_shared>>
          %dma_wait3A_240 = tpu.memref_squeeze %dma_wait3A_239 : memref<1x256xi32, #tpu.memory_space<vmem_shared>> -> memref<256xi32, #tpu.memory_space<vmem_shared>>
          %dma_wait3A_241 = arith.constant 0 : i32
          %dma_wait3A_242 = tpu.memref_slice %arg17[%add3A_154, %dma_wait3A_241] : memref<128x256xi32, #tpu.memory_space<vmem_shared>> -> memref<1x256xi32, #tpu.memory_space<vmem_shared>>
          %dma_wait3A_243 = tpu.memref_squeeze %dma_wait3A_242 : memref<1x256xi32, #tpu.memory_space<vmem_shared>> -> memref<256xi32, #tpu.memory_space<vmem_shared>>
          %dma_wait3A_244 = arith.constant 1536 : i32
          %dma_wait3A_245 = tpu.memref_slice %arg9[%dma_wait3A_244] : memref<2048xi32, #tpu.memory_space<vmem>> -> memref<256xi32, #tpu.memory_space<vmem>>
          tpu.wait_dma2 semaphore(%arg18 : memref<!tpu.dma_semaphore, #tpu.memory_space<semaphore_mem>>) src(%dma_wait3A_245 : memref<256xi32, #tpu.memory_space<vmem>>) dst(%dma_wait3A_243 : memref<256xi32, #tpu.memory_space<vmem_shared>>)
          %dma_wait3A_246 = arith.constant 1792 : i32
          %dma_wait3A_247 = tpu.memref_slice %arg9[%dma_wait3A_246] : memref<2048xi32, #tpu.memory_space<vmem>> -> memref<256xi32, #tpu.memory_space<vmem>>
          %dma_wait3A_248 = arith.constant 0 : i32
          %dma_wait3A_249 = tpu.memref_slice %arg17[%add3A_166, %dma_wait3A_248] : memref<128x256xi32, #tpu.memory_space<vmem_shared>> -> memref<1x256xi32, #tpu.memory_space<vmem_shared>>
          %dma_wait3A_250 = tpu.memref_squeeze %dma_wait3A_249 : memref<1x256xi32, #tpu.memory_space<vmem_shared>> -> memref<256xi32, #tpu.memory_space<vmem_shared>>
          %dma_wait3A_251 = arith.constant 0 : i32
          %dma_wait3A_252 = tpu.memref_slice %arg17[%add3A_166, %dma_wait3A_251] : memref<128x256xi32, #tpu.memory_space<vmem_shared>> -> memref<1x256xi32, #tpu.memory_space<vmem_shared>>
          %dma_wait3A_253 = tpu.memref_squeeze %dma_wait3A_252 : memref<1x256xi32, #tpu.memory_space<vmem_shared>> -> memref<256xi32, #tpu.memory_space<vmem_shared>>
          %dma_wait3A_254 = arith.constant 1792 : i32
          %dma_wait3A_255 = tpu.memref_slice %arg9[%dma_wait3A_254] : memref<2048xi32, #tpu.memory_space<vmem>> -> memref<256xi32, #tpu.memory_space<vmem>>
          tpu.wait_dma2 semaphore(%arg18 : memref<!tpu.dma_semaphore, #tpu.memory_space<semaphore_mem>>) src(%dma_wait3A_255 : memref<256xi32, #tpu.memory_space<vmem>>) dst(%dma_wait3A_253 : memref<256xi32, #tpu.memory_space<vmem_shared>>)
          %scan3A_256 = arith.constant 0 : i32
          %scan3A_257 = arith.constant 0 : i32
          %scan3A_258 = arith.constant 128 : i32
          %scan3A_259 = arith.addi %scan3A_257, %scan3A_258 : i32
          %scan3A_260 = arith.constant 1 : i32
          %scan3A_261 = scf.for %scan3A_270 = %scan3A_257 to %scan3A_259 step %scan3A_260 iter_args(%scan3A_271 = %scan3A_256) -> (i32)  : i32 {
            %mul3A_272 = arith.constant 16 : i32
            %mul3A_273 = arith.muli %scan3A_270, %mul3A_272 : i32
            %swap3A = arith.index_cast %mul3A_273 : i32 to index
            %swap3A_274 = tpu.vector_load %arg9[%swap3A] {strides = array<i32>} : memref<2048xi32, #tpu.memory_space<vmem>>, vector<16xi32>,
            tpu.vector_store %arg9[%swap3A], %broadcast_in_dim3A_3 {strides = array<i32>} : memref<2048xi32, #tpu.memory_space<vmem>>, vector<16xi32>,
            %scan3A_275 = arith.constant 0 : i32
            scf.yield %scan3A_275 : i32
          }
          %scan3A_262 = arith.constant 128 : i32
          %barrier3A = arith.constant 0 : index
          tpu.barrier barrier_id(%barrier3A)
          %lt3A_263 = arith.constant 8 : i32
          %lt3A_264 = arith.cmpi slt, %arg1, %lt3A_263 : i32
          %convert_element_type3A_265 = arith.extui %lt3A_264 : i1 to i32
          %cond3A_266 = arith.constant 0 : i32
          %cond3A_267 = arith.cmpi ne, %convert_element_type3A_265, %cond3A_266 : i32
          scf.if %cond3A_267 {
            %mul3A_270 = arith.constant 16 : i32
            %mul3A_271 = arith.muli %arg1, %mul3A_270 : i32
            "tpu.region"() ({
              %run_scoped3A = tpu.sem_alloc : memref<!tpu.dma_semaphore, #tpu.memory_space<semaphore_mem>>
              %dma_start3A_307 = arith.constant 0 : i32
              %dma_start3A_308 = tpu.memref_slice %arg17[%mul3A_271, %dma_start3A_307] : memref<128x256xi32, #tpu.memory_space<vmem_shared>> -> memref<16x256xi32, #tpu.memory_space<vmem_shared>>
              %dma_start3A_309 = arith.constant 0 : i32
              %dma_start3A_310 = tpu.memref_slice %arg17[%mul3A_271, %dma_start3A_309] : memref<128x256xi32, #tpu.memory_space<vmem_shared>> -> memref<16x256xi32, #tpu.memory_space<vmem_shared>>
              tpu.enqueue_dma source(%dma_start3A_310 : memref<16x256xi32, #tpu.memory_space<vmem_shared>>) target(%arg14 : memref<16x256xi32, #tpu.memory_space<vmem>>) target_semaphore(%run_scoped3A : memref<!tpu.dma_semaphore, #tpu.memory_space<semaphore_mem>>)
              %dma_wait3A_311 = arith.constant 0 : i32
              %dma_wait3A_312 = tpu.memref_slice %arg17[%mul3A_271, %dma_wait3A_311] : memref<128x256xi32, #tpu.memory_space<vmem_shared>> -> memref<16x256xi32, #tpu.memory_space<vmem_shared>>
              %dma_wait3A_313 = arith.constant 0 : i32
              %dma_wait3A_314 = tpu.memref_slice %arg17[%mul3A_271, %dma_wait3A_313] : memref<128x256xi32, #tpu.memory_space<vmem_shared>> -> memref<16x256xi32, #tpu.memory_space<vmem_shared>>
              tpu.wait_dma2 semaphore(%run_scoped3A : memref<!tpu.dma_semaphore, #tpu.memory_space<semaphore_mem>>) src(%dma_wait3A_314 : memref<16x256xi32, #tpu.memory_space<vmem_shared>>) dst(%arg14 : memref<16x256xi32, #tpu.memory_space<vmem>>)
              tpu.yield
            }) : () -> ()
            %scan3A_272 = arith.constant 0 : i32
            %scan3A_273 = arith.constant 0 : i32
            %scan3A_274 = arith.constant 16 : i32
            %scan3A_275 = arith.addi %scan3A_273, %scan3A_274 : i32
            %scan3A_276 = arith.constant 1 : i32
            %scan3A_277 = scf.for %scan3A_307 = %scan3A_273 to %scan3A_275 step %scan3A_276 iter_args(%scan3A_308 = %scan3A_272) -> (i32)  : i32 {
              %scan3A_309 = arith.constant 0 : i32
              %scan3A_310 = arith.constant 16 : i32
              %scan3A_311 = arith.addi %scan3A_309, %scan3A_310 : i32
              %scan3A_312 = arith.constant 1 : i32
              %scan3A_313 = scf.for %scan3A_320 = %scan3A_309 to %scan3A_311 step %scan3A_312 iter_args(%scan3A_321 = %broadcast_in_dim3A_3) -> (vector<16xi32>)  : i32 {
                %mul3A_322 = arith.constant 16 : i32
                %mul3A_323 = arith.muli %scan3A_307, %mul3A_322 : i32
                %get3A_324 = arith.index_cast %scan3A_320 : i32 to index
                %get3A_325 = arith.index_cast %mul3A_323 : i32 to index
                %get3A_326 = tpu.vector_load %arg14[%get3A_324, %get3A_325] {strides = array<i32>} : memref<16x256xi32, #tpu.memory_space<vmem>>, vector<16xi32>,
                %add3A_327 = arith.addi %scan3A_321, %get3A_326 : vector<16xi32>
                scf.yield %add3A_327 : vector<16xi32>
              }
              %scan3A_314 = arith.constant 16 : i32
              %mul3A_315 = arith.constant 16 : i32
              %mul3A_316 = arith.muli %scan3A_307, %mul3A_315 : i32
              %swap3A_317 = arith.index_cast %mul3A_316 : i32 to index
              %swap3A_318 = tpu.vector_load %arg15[%swap3A_317] {strides = array<i32>} : memref<256xi32, #tpu.memory_space<vmem>>, vector<16xi32>,
              tpu.vector_store %arg15[%swap3A_317], %scan3A_313 {strides = array<i32>} : memref<256xi32, #tpu.memory_space<vmem>>, vector<16xi32>,
              %scan3A_319 = arith.constant 0 : i32
              scf.yield %scan3A_319 : i32
            }
            %scan3A_278 = arith.constant 16 : i32
            %get3A = arith.constant 0 : index
            %get3A_279 = tpu.vector_load %arg12[%get3A] {strides = array<i32>} : memref<16xi32, #tpu.memory_space<vmem>>, vector<16xi32>,
            %mul3A_280 = arith.constant 16 : i32
            %mul3A_281 = arith.muli %arg1, %mul3A_280 : i32
            %get3A_282 = arith.index_cast %mul3A_281 : i32 to index
            %get3A_283 = tpu.vector_load %arg10[%get3A_282] {strides = array<i32>} : memref<128xi32, #tpu.memory_space<vmem>>, vector<16xi32>,
            %scan3A_284 = arith.constant 0 : i32
            %scan3A_285 = arith.constant 16 : i32
            %scan3A_286 = arith.addi %scan3A_284, %scan3A_285 : i32
            %scan3A_287 = arith.constant 1 : i32
            %scan3A_288 = scf.for %scan3A_307 = %scan3A_284 to %scan3A_286 step %scan3A_287 iter_args(%scan3A_308 = %broadcast_in_dim3A_3) -> (vector<16xi32>)  : i32 {
              %mul3A_309 = arith.constant 16 : i32
              %mul3A_310 = arith.muli %scan3A_307, %mul3A_309 : i32
              %get3A_311 = arith.index_cast %mul3A_310 : i32 to index
              %get3A_312 = tpu.vector_load %arg15[%get3A_311] {strides = array<i32>} : memref<256xi32, #tpu.memory_space<vmem>>, vector<16xi32>,
              %add3A_313 = arith.addi %scan3A_308, %get3A_312 : vector<16xi32>
              scf.yield %add3A_313 : vector<16xi32>
            }
            %scan3A_289 = arith.constant 16 : i32
            %scan3A_290 = arith.constant 0 : i32
            %scan3A_291 = arith.constant 16 : i32
            %scan3A_292 = arith.addi %scan3A_290, %scan3A_291 : i32
            %scan3A_293 = arith.constant 1 : i32
            %scan3A_294:5 = scf.for %scan3A_307 = %scan3A_290 to %scan3A_292 step %scan3A_293 iter_args(%scan3A_308 = %broadcast_in_dim3A_3, %scan3A_309 = %broadcast_in_dim3A_3, %scan3A_310 = %broadcast_in_dim3A_3, %scan3A_311 = %broadcast_in_dim3A_3, %scan3A_312 = %broadcast_in_dim3A_3) -> (vector<16xi32>, vector<16xi32>, vector<16xi32>, vector<16xi32>, vector<16xi32>)  : i32 {
              %mul3A_313 = arith.constant 16 : i32
              %mul3A_314 = arith.muli %scan3A_307, %mul3A_313 : i32
              %get3A_315 = arith.index_cast %mul3A_314 : i32 to index
              %get3A_316 = tpu.vector_load %arg15[%get3A_315] {strides = array<i32>} : memref<256xi32, #tpu.memory_space<vmem>>, vector<16xi32>,
              %add3A_317 = arith.addi %scan3A_308, %get3A_316 : vector<16xi32>
              %ge3A = arith.cmpi sge, %add3A_317, %get3A_279 : vector<16xi32>
              %convert_element_type3A_318 = arith.extui %ge3A : vector<16xi1> to vector<16xi32>
              %sub3A_319 = arith.subi %convert_element_type3A_318, %scan3A_309 : vector<16xi32>
              %mul3A_320 = vector.broadcast %scan3A_307 : i32 to vector<16xi32>
              %mul3A_321 = arith.muli %mul3A_320, %sub3A_319 : vector<16xi32>
              %add3A_322 = arith.addi %scan3A_310, %mul3A_321 : vector<16xi32>
              %mul3A_323 = arith.muli %get3A_316, %sub3A_319 : vector<16xi32>
              %add3A_324 = arith.addi %scan3A_311, %mul3A_323 : vector<16xi32>
              %mul3A_325 = arith.muli %add3A_317, %sub3A_319 : vector<16xi32>
              %add3A_326 = arith.addi %scan3A_312, %mul3A_325 : vector<16xi32>
              scf.yield %add3A_317, %convert_element_type3A_318, %add3A_322, %add3A_324, %add3A_326 : vector<16xi32>, vector<16xi32>, vector<16xi32>, vector<16xi32>, vector<16xi32>
            }
            %scan3A_295 = arith.constant 16 : i32
            %sub3A_296 = arith.subi %scan3A_294#4, %scan3A_294#3 : vector<16xi32>
            %sub3A_297 = arith.subi %get3A_279, %sub3A_296 : vector<16xi32>
            %swap3A = arith.constant 0 : index
            %swap3A_298 = tpu.vector_load %arg12[%swap3A] {strides = array<i32>} : memref<16xi32, #tpu.memory_space<vmem>>, vector<16xi32>,
            tpu.vector_store %arg12[%swap3A], %sub3A_297 {strides = array<i32>} : memref<16xi32, #tpu.memory_space<vmem>>, vector<16xi32>,
            %mul3A_299 = arith.constant 16 : i32
            %mul3A_300 = vector.broadcast %mul3A_299 : i32 to vector<16xi32>
            %mul3A_301 = arith.muli %get3A_283, %mul3A_300 : vector<16xi32>
            %add3A_302 = arith.addi %mul3A_301, %scan3A_294#2 : vector<16xi32>
            %swap3A_303 = arith.constant 0 : index
            %swap3A_304 = tpu.vector_load %arg13[%swap3A_303] {strides = array<i32>} : memref<16xi32, #tpu.memory_space<vmem>>, vector<16xi32>,
            tpu.vector_store %arg13[%swap3A_303], %add3A_302 {strides = array<i32>} : memref<16xi32, #tpu.memory_space<vmem>>, vector<16xi32>,
            %mul3A_305 = arith.constant 16 : i32
            %mul3A_306 = arith.muli %arg1, %mul3A_305 : i32
            "tpu.region"() ({
              %run_scoped3A = tpu.sem_alloc : memref<!tpu.dma_semaphore, #tpu.memory_space<semaphore_mem>>
              %dma_start3A_307 = tpu.memref_slice %arg19[%mul3A_306] : memref<128xi32, #tpu.memory_space<vmem_shared>> -> memref<16xi32, #tpu.memory_space<vmem_shared>>
              %dma_start3A_308 = tpu.memref_slice %arg19[%mul3A_306] : memref<128xi32, #tpu.memory_space<vmem_shared>> -> memref<16xi32, #tpu.memory_space<vmem_shared>>
              tpu.enqueue_dma source(%arg13 : memref<16xi32, #tpu.memory_space<vmem>>) target(%dma_start3A_308 : memref<16xi32, #tpu.memory_space<vmem_shared>>) target_semaphore(%run_scoped3A : memref<!tpu.dma_semaphore, #tpu.memory_space<semaphore_mem>>)
              %dma_wait3A_309 = tpu.memref_slice %arg19[%mul3A_306] : memref<128xi32, #tpu.memory_space<vmem_shared>> -> memref<16xi32, #tpu.memory_space<vmem_shared>>
              %dma_wait3A_310 = tpu.memref_slice %arg19[%mul3A_306] : memref<128xi32, #tpu.memory_space<vmem_shared>> -> memref<16xi32, #tpu.memory_space<vmem_shared>>
              tpu.wait_dma2 semaphore(%run_scoped3A : memref<!tpu.dma_semaphore, #tpu.memory_space<semaphore_mem>>) src(%arg13 : memref<16xi32, #tpu.memory_space<vmem>>) dst(%dma_wait3A_310 : memref<16xi32, #tpu.memory_space<vmem_shared>>)
              tpu.yield
            }) : () -> ()
          } else {
          }
          %barrier3A_268 = arith.constant 0 : index
          tpu.barrier barrier_id(%barrier3A_268)
          "tpu.region"() ({
            %run_scoped3A = tpu.sem_alloc : memref<!tpu.dma_semaphore, #tpu.memory_space<semaphore_mem>>
            tpu.enqueue_dma source(%arg19 : memref<128xi32, #tpu.memory_space<vmem_shared>>) target(%arg10 : memref<128xi32, #tpu.memory_space<vmem>>) target_semaphore(%run_scoped3A : memref<!tpu.dma_semaphore, #tpu.memory_space<semaphore_mem>>)
            tpu.wait_dma2 semaphore(%run_scoped3A : memref<!tpu.dma_semaphore, #tpu.memory_space<semaphore_mem>>) src(%arg19 : memref<128xi32, #tpu.memory_space<vmem_shared>>) dst(%arg10 : memref<128xi32, #tpu.memory_space<vmem>>)
            tpu.yield
          }) : () -> ()
          %scan3A_269 = arith.constant 0 : i32
          scf.yield %scan3A_269 : i32
        }
        %scan3A_69 = arith.constant 4 : i32
        %cond3A_70 = arith.constant 0 : i32
        scf.yield %cond3A_70 : i32
      } else {
        %scan3A_63 = arith.constant 0 : i32
        %scan3A_64 = arith.constant 0 : i32
        %scan3A_65 = arith.constant 8 : i32
        %scan3A_66 = arith.addi %scan3A_64, %scan3A_65 : i32
        %scan3A_67 = arith.constant 1 : i32
        %scan3A_68 = scf.for %scan3A_71 = %scan3A_64 to %scan3A_66 step %scan3A_67 iter_args(%scan3A_72 = %scan3A_63) -> (i32)  : i32 {
          %broadcast_in_dim3A_73 = arith.constant 1048576 : i32
          %broadcast_in_dim3A_74 = vector.broadcast %broadcast_in_dim3A_73 : i32 to vector<16xi32>
          %mul3A_75 = arith.constant 16 : i32
          %mul3A_76 = arith.muli %scan3A_71, %mul3A_75 : i32
          %swap3A = arith.index_cast %mul3A_76 : i32 to index
          %swap3A_77 = tpu.vector_load %arg10[%swap3A] {strides = array<i32>} : memref<128xi32, #tpu.memory_space<vmem>>, vector<16xi32>,
          tpu.vector_store %arg10[%swap3A], %broadcast_in_dim3A_74 {strides = array<i32>} : memref<128xi32, #tpu.memory_space<vmem>>, vector<16xi32>,
          %scan3A_78 = arith.constant 0 : i32
          scf.yield %scan3A_78 : i32
        }
        %scan3A_69 = arith.constant 8 : i32
        %cond3A_70 = arith.constant 0 : i32
        scf.yield %cond3A_70 : i32
      }
      %scan3A_56 = arith.constant 0 : i32
      %scan3A_57 = arith.constant 0 : i32
      %scan3A_58 = arith.constant 64 : i32
      %scan3A_59 = arith.addi %scan3A_57, %scan3A_58 : i32
      %scan3A_60 = arith.constant 1 : i32
      %scan3A_61 = scf.for %scan3A_63 = %scan3A_57 to %scan3A_59 step %scan3A_60 iter_args(%scan3A_64 = %scan3A_56) -> (i32)  : i32 {
        %mul3A_65 = arith.constant 16 : i32
        %mul3A_66 = arith.muli %scan3A_63, %mul3A_65 : i32
        %get3A = arith.index_cast %mul3A_66 : i32 to index
        %get3A_67 = tpu.vector_load %arg6[%get3A] {strides = array<i32>} : memref<1024xi32, #tpu.memory_space<vmem>>, vector<16xi32>,
        %get3A_68 = arith.index_cast %mul3A_66 : i32 to index
        %get3A_69 = tpu.vector_load %arg7[%get3A_68] {strides = array<i32>} : memref<1024xi32, #tpu.memory_space<vmem>>, vector<16xi32>,
        %sub3A = arith.constant 1006632960 : i32
        %sub3A_70 = vector.broadcast %sub3A : i32 to vector<16xi32>
        %sub3A_71 = arith.subi %get3A_67, %sub3A_70 : vector<16xi32>
        %ge3A = arith.constant 0 : i32
        %ge3A_72 = vector.broadcast %ge3A : i32 to vector<16xi32>
        %ge3A_73 = arith.cmpi sge, %get3A_67, %ge3A_72 : vector<16xi32>
        %gather3A = tpu.vector_load_idx %arg11[%get3A_69] : memref<128xi32, #tpu.memory_space<vmem>>[vector<16xi32>], vector<16xi32>,
        %gather3A_74 = tpu.vector_load_idx %arg10[%get3A_69] : memref<128xi32, #tpu.memory_space<vmem>>[vector<16xi32>], vector<16xi32>,
        %add3A = arith.addi %mul3A_2, %mul3A_66 : i32
        %add3A_75 = vector.broadcast %add3A : i32 to vector<16xi32>
        %add3A_76 = arith.addi %add3A_75, %iota3A : vector<16xi32>
        %gt3A_77 = arith.cmpi sgt, %sub3A_71, %gather3A : vector<16xi32>
        %eq3A_78 = arith.cmpi eq, %sub3A_71, %gather3A : vector<16xi32>
        %le3A = arith.cmpi sle, %add3A_76, %gather3A_74 : vector<16xi32>
        %and3A = arith.andi %eq3A_78, %le3A : vector<16xi1>
        %or3A = arith.ori %gt3A_77, %and3A : vector<16xi1>
        %and3A_79 = arith.andi %ge3A_73, %or3A : vector<16xi1>
        %convert_element_type3A_80 = arith.extui %and3A_79 : vector<16xi1> to vector<16xi32>
        %swap3A = arith.index_cast %mul3A_66 : i32 to index
        %swap3A_81 = tpu.vector_load %arg8[%swap3A] {strides = array<i32>} : memref<1024xi32, #tpu.memory_space<vmem>>, vector<16xi32>,
        tpu.vector_store %arg8[%swap3A], %convert_element_type3A_80 {strides = array<i32>} : memref<1024xi32, #tpu.memory_space<vmem>>, vector<16xi32>,
        %scan3A_82 = arith.constant 0 : i32
        scf.yield %scan3A_82 : i32
      }
      %scan3A_62 = arith.constant 64 : i32
      "tpu.region"() ({
        %run_scoped3A = tpu.sem_alloc : memref<!tpu.dma_semaphore, #tpu.memory_space<semaphore_mem>>
        %dma_start3A = tpu.memref_slice %arg5[%mul3A_2] : memref<16384xi32, #tpu.memory_space<hbm>> -> memref<1024xi32, #tpu.memory_space<hbm>>
        %dma_start3A_63 = tpu.memref_slice %arg5[%mul3A_2] : memref<16384xi32, #tpu.memory_space<hbm>> -> memref<1024xi32, #tpu.memory_space<hbm>>
        tpu.enqueue_dma source(%arg8 : memref<1024xi32, #tpu.memory_space<vmem>>) target(%dma_start3A_63 : memref<1024xi32, #tpu.memory_space<hbm>>) target_semaphore(%run_scoped3A : memref<!tpu.dma_semaphore, #tpu.memory_space<semaphore_mem>>)
        %dma_wait3A = tpu.memref_slice %arg5[%mul3A_2] : memref<16384xi32, #tpu.memory_space<hbm>> -> memref<1024xi32, #tpu.memory_space<hbm>>
        %dma_wait3A_64 = tpu.memref_slice %arg5[%mul3A_2] : memref<16384xi32, #tpu.memory_space<hbm>> -> memref<1024xi32, #tpu.memory_space<hbm>>
        tpu.wait_dma2 semaphore(%run_scoped3A : memref<!tpu.dma_semaphore, #tpu.memory_space<semaphore_mem>>) src(%arg8 : memref<1024xi32, #tpu.memory_space<vmem>>) dst(%dma_wait3A_64 : memref<1024xi32, #tpu.memory_space<hbm>>)
        tpu.yield
      }) : () -> ()
    } else {
    }
    return
  }
}

module attributes {stable_mosaic.version = 14 : i64} {
  func.func @_stage1_body(%arg0: i32, %arg1: memref<2048x100xf32, #tpu.memory_space<vmem>>, %arg2: memref<2048x1xf32, #tpu.memory_space<vmem>>, %arg3: memref<2048x1xi32, #tpu.memory_space<vmem>>, %arg4: memref<2048x1xi32, #tpu.memory_space<vmem>>, %arg5: memref<1x128xi32, #tpu.memory_space<vmem>>) attributes {dimension_semantics = [#tpu.dimension_semantics<arbitrary>], iteration_bounds = array<i64: 8>, scalar_prefetch = 0 : i64, scratch_operands = 0 : i64, tpu.core_type = #tpu.core_type<tc>, window_params = [{transform_indices = @transform_0, window_bounds = array<i64: 2048, 100>}, {transform_indices = @transform_1, window_bounds = array<i64: 2048, 1>}, {transform_indices = @transform_2, window_bounds = array<i64: 2048, 1>}, {transform_indices = @transform_3, window_bounds = array<i64: 2048, 1>}, {pipeline_mode = #tpu.pipeline_mode<synchronous>, transform_indices = @transform_4, window_bounds = array<i64: 1, 128>}]} {
    %get3A = arith.constant 0 : index
    %get3A_0 = arith.constant 0 : index
    %get3A_1 = vector.load %arg1[%get3A, %get3A_0] : memref<2048x100xf32, #tpu.memory_space<vmem>>, vector<2048x100xf32>
    %reduce_max3A = arith.constant dense<0xFF800000> : vector<2048xf32>
    %reduce_max3A_2 = vector.multi_reduction <maximumf>, %get3A_1, %reduce_max3A [1] : vector<2048x100xf32> to vector<2048xf32>
    %broadcast_in_dim3A = vector.shape_cast %reduce_max3A_2 : vector<2048xf32> to vector<2048x1xf32>
    %sub3A = vector.broadcast %broadcast_in_dim3A : vector<2048x1xf32> to vector<2048x100xf32>
    %sub3A_3 = arith.subf %get3A_1, %sub3A : vector<2048x100xf32>
    %exp3A = math.exp %sub3A_3 : vector<2048x100xf32>
    %reduce_sum3A = arith.constant dense<0.000000e+00> : vector<2048xf32>
    %reduce_sum3A_4 = vector.multi_reduction <add>, %exp3A, %reduce_sum3A [1] : vector<2048x100xf32> to vector<2048xf32>
    %broadcast_in_dim3A_5 = vector.shape_cast %reduce_sum3A_4 : vector<2048xf32> to vector<2048x1xf32>
    %div3A = vector.broadcast %broadcast_in_dim3A_5 : vector<2048x1xf32> to vector<2048x100xf32>
    %div3A_6 = arith.divf %exp3A, %div3A : vector<2048x100xf32>
    %reduce_max3A_7 = arith.constant dense<0xFF800000> : vector<2048xf32>
    %reduce_max3A_8 = vector.multi_reduction <maximumf>, %div3A_6, %reduce_max3A_7 [1] : vector<2048x100xf32> to vector<2048xf32>
    %broadcast_in_dim3A_9 = vector.shape_cast %reduce_max3A_8 : vector<2048xf32> to vector<2048x1xf32>
    %iota3A = tpu.iota {dimensions = array<i32: 1>} : vector<2048x100xi32>
    %convert_element_type3A = arith.sitofp %iota3A : vector<2048x100xi32> to vector<2048x100xf32>
    %ge3A = vector.broadcast %broadcast_in_dim3A_9 : vector<2048x1xf32> to vector<2048x100xf32>
    %ge3A_10 = arith.cmpf oge, %div3A_6, %ge3A : vector<2048x100xf32>
    %jit3A = arith.constant 1.000000e+09 : f32
    %broadcast_in_dim3A_11 = vector.broadcast %jit3A : f32 to vector<2048x100xf32>
    %select_n3A = arith.select %ge3A_10, %convert_element_type3A, %broadcast_in_dim3A_11 : vector<2048x100xi1>, vector<2048x100xf32>
    %reduce_min3A = arith.constant dense<0x7F800000> : vector<2048xf32>
    %reduce_min3A_12 = vector.multi_reduction <minimumf>, %select_n3A, %reduce_min3A [1] : vector<2048x100xf32> to vector<2048xf32>
    %broadcast_in_dim3A_13 = vector.shape_cast %reduce_min3A_12 : vector<2048xf32> to vector<2048x1xf32>
    %convert_element_type3A_14 = arith.fptosi %broadcast_in_dim3A_13 : vector<2048x1xf32> to vector<2048x1xi32>
    %ge3A_15 = arith.constant 5.000000e-02 : f32
    %ge3A_16 = vector.broadcast %ge3A_15 : f32 to vector<2048x1xf32>
    %ge3A_17 = arith.cmpf oge, %broadcast_in_dim3A_9, %ge3A_16 : vector<2048x1xf32>
    %bitcast_convert_type3A = tpu.bitcast %broadcast_in_dim3A_9 : vector<2048x1xf32> -> vector<2048x1xi32>
    %jit3A_18 = arith.constant -1 : i32
    %broadcast_in_dim3A_19 = vector.broadcast %jit3A_18 : i32 to vector<2048x1xi32>
    %select_n3A_20 = arith.select %ge3A_17, %bitcast_convert_type3A, %broadcast_in_dim3A_19 : vector<2048x1xi1>, vector<2048x1xi32>
    %swap3A = arith.constant 0 : index
    %swap3A_21 = arith.constant 0 : index
    %swap3A_22 = vector.load %arg2[%swap3A, %swap3A_21] : memref<2048x1xf32, #tpu.memory_space<vmem>>, vector<2048x1xf32>
    tpu.vector_store %arg2[%swap3A, %swap3A_21], %broadcast_in_dim3A_9 {strides = array<i32>} : memref<2048x1xf32, #tpu.memory_space<vmem>>, vector<2048x1xf32>,
    %swap3A_23 = arith.constant 0 : index
    %swap3A_24 = arith.constant 0 : index
    %swap3A_25 = vector.load %arg3[%swap3A_23, %swap3A_24] : memref<2048x1xi32, #tpu.memory_space<vmem>>, vector<2048x1xi32>
    tpu.vector_store %arg3[%swap3A_23, %swap3A_24], %convert_element_type3A_14 {strides = array<i32>} : memref<2048x1xi32, #tpu.memory_space<vmem>>, vector<2048x1xi32>,
    %swap3A_26 = arith.constant 0 : index
    %swap3A_27 = arith.constant 0 : index
    %swap3A_28 = vector.load %arg4[%swap3A_26, %swap3A_27] : memref<2048x1xi32, #tpu.memory_space<vmem>>, vector<2048x1xi32>
    tpu.vector_store %arg4[%swap3A_26, %swap3A_27], %select_n3A_20 {strides = array<i32>} : memref<2048x1xi32, #tpu.memory_space<vmem>>, vector<2048x1xi32>,
    %iota3A_29 = tpu.iota {dimensions = array<i32: 1>} : vector<2048x128xi32>
    %eq3A = vector.broadcast %convert_element_type3A_14 : vector<2048x1xi32> to vector<2048x128xi32>
    %eq3A_30 = arith.cmpi eq, %eq3A, %iota3A_29 : vector<2048x128xi32>
    %and3A = vector.broadcast %ge3A_17 : vector<2048x1xi1> to vector<2048x128xi1>
    %and3A_31 = arith.andi %eq3A_30, %and3A : vector<2048x128xi1>
    %convert_element_type3A_32 = arith.extui %and3A_31 : vector<2048x128xi1> to vector<2048x128xi32>
    %reduce_sum3A_33 = arith.constant dense<0> : vector<128xi32>
    %reduce_sum3A_34 = vector.multi_reduction <add>, %convert_element_type3A_32, %reduce_sum3A_33 [0] : vector<2048x128xi32> to vector<128xi32>
    %broadcast_in_dim3A_35 = vector.shape_cast %reduce_sum3A_34 : vector<128xi32> to vector<1x128xi32>
    %eq3A_36 = arith.constant 0 : i32
    %eq3A_37 = arith.cmpi eq, %arg0, %eq3A_36 : i32
    %convert_element_type3A_38 = arith.extui %eq3A_37 : i1 to i32
    %cond3A = arith.constant 0 : i32
    %cond3A_39 = arith.cmpi ne, %convert_element_type3A_38, %cond3A : i32
    scf.if %cond3A_39 {
      %swap3A_49 = arith.constant 0 : index
      %swap3A_50 = arith.constant 0 : index
      %swap3A_51 = vector.load %arg5[%swap3A_49, %swap3A_50] : memref<1x128xi32, #tpu.memory_space<vmem>>, vector<1x128xi32>
      tpu.vector_store %arg5[%swap3A_49, %swap3A_50], %broadcast_in_dim3A_35 {strides = array<i32>} : memref<1x128xi32, #tpu.memory_space<vmem>>, vector<1x128xi32>,
    } else {
    }
    %gt3A = arith.constant 0 : i32
    %gt3A_40 = arith.cmpi sgt, %arg0, %gt3A : i32
    %convert_element_type3A_41 = arith.extui %gt3A_40 : i1 to i32
    %cond3A_42 = arith.constant 0 : i32
    %cond3A_43 = arith.cmpi ne, %convert_element_type3A_41, %cond3A_42 : i32
    scf.if %cond3A_43 {
      %get3A_49 = arith.constant 0 : index
      %get3A_50 = arith.constant 0 : index
      %get3A_51 = vector.load %arg5[%get3A_49, %get3A_50] : memref<1x128xi32, #tpu.memory_space<vmem>>, vector<1x128xi32>
      %add3A = arith.addi %get3A_51, %broadcast_in_dim3A_35 : vector<1x128xi32>
      %swap3A_52 = arith.constant 0 : index
      %swap3A_53 = arith.constant 0 : index
      %swap3A_54 = vector.load %arg5[%swap3A_52, %swap3A_53] : memref<1x128xi32, #tpu.memory_space<vmem>>, vector<1x128xi32>
      tpu.vector_store %arg5[%swap3A_52, %swap3A_53], %add3A {strides = array<i32>} : memref<1x128xi32, #tpu.memory_space<vmem>>, vector<1x128xi32>,
    } else {
    }
    %eq3A_44 = arith.constant 7 : i32
    %eq3A_45 = arith.cmpi eq, %arg0, %eq3A_44 : i32
    %convert_element_type3A_46 = arith.extui %eq3A_45 : i1 to i32
    %cond3A_47 = arith.constant 0 : i32
    %cond3A_48 = arith.cmpi ne, %convert_element_type3A_46, %cond3A_47 : i32
    scf.if %cond3A_48 {
      %get3A_49 = arith.constant 0 : index
      %get3A_50 = arith.constant 0 : index
      %get3A_51 = vector.load %arg5[%get3A_49, %get3A_50] : memref<1x128xi32, #tpu.memory_space<vmem>>, vector<1x128xi32>
      %iota3A_52 = tpu.iota {dimensions = array<i32: 1>} : vector<1x128xi32>
      %lt3A = arith.constant 100 : i32
      %lt3A_53 = vector.broadcast %lt3A : i32 to vector<1x128xi32>
      %lt3A_54 = arith.cmpi slt, %iota3A_52, %lt3A_53 : vector<1x128xi32>
      %jit3A_55 = arith.constant 1073741824 : i32
      %broadcast_in_dim3A_56 = vector.broadcast %jit3A_55 : i32 to vector<1x128xi32>
      %select_n3A_57 = arith.select %lt3A_54, %get3A_51, %broadcast_in_dim3A_56 : vector<1x128xi1>, vector<1x128xi32>
      %reduce_min3A_58 = vector.shape_cast %select_n3A_57 : vector<1x128xi32> to vector<1x1x128xi32>
      %reduce_min3A_59 = arith.constant dense<2147483647> : vector<1xi32>
      %reduce_min3A_60 = vector.multi_reduction <minsi>, %reduce_min3A_58, %reduce_min3A_59 [1, 2] : vector<1x1x128xi32> to vector<1xi32>
      %reduce_min3A_61 = vector.shape_cast %reduce_min3A_60 : vector<1xi32> to vector<1x1x1xi32>
      %reduce_min3A_62 = vector.extract %reduce_min3A_61[0, 0, 0] : i32 from vector<1x1x1xi32>
      %max3A = arith.constant 1 : i32
      %max3A_63 = arith.maxsi %max3A, %reduce_min3A_62 : i32
      %min3A = vector.broadcast %max3A_63 : i32 to vector<1x128xi32>
      %min3A_64 = arith.minsi %min3A, %get3A_51 : vector<1x128xi32>
      %swap3A_65 = arith.constant 0 : index
      %swap3A_66 = arith.constant 0 : index
      %swap3A_67 = vector.load %arg5[%swap3A_65, %swap3A_66] : memref<1x128xi32, #tpu.memory_space<vmem>>, vector<1x128xi32>
      tpu.vector_store %arg5[%swap3A_65, %swap3A_66], %min3A_64 {strides = array<i32>} : memref<1x128xi32, #tpu.memory_space<vmem>>, vector<1x128xi32>,
    } else {
    }
    return
  }
  func.func @transform_0(%arg0: i32) -> (i32, i32) {
    %c0_i32 = arith.constant 0 : i32
    %c0_i32_0 = arith.constant 0 : i32
    return %arg0, %c0_i32 : i32, i32
  }
  func.func @transform_1(%arg0: i32) -> (i32, i32) {
    %c0_i32 = arith.constant 0 : i32
    %c0_i32_0 = arith.constant 0 : i32
    return %arg0, %c0_i32 : i32, i32
  }
  func.func @transform_2(%arg0: i32) -> (i32, i32) {
    %c0_i32 = arith.constant 0 : i32
    %c0_i32_0 = arith.constant 0 : i32
    return %arg0, %c0_i32 : i32, i32
  }
  func.func @transform_3(%arg0: i32) -> (i32, i32) {
    %c0_i32 = arith.constant 0 : i32
    %c0_i32_0 = arith.constant 0 : i32
    return %arg0, %c0_i32 : i32, i32
  }
  func.func @transform_4(%arg0: i32) -> (i32, i32) {
    %c0_i32 = arith.constant 0 : i32
    %c0_i32_0 = arith.constant 0 : i32
    %c0_i32_1 = arith.constant 0 : i32
    return %c0_i32, %c0_i32_0 : i32, i32
  }
}

</mosaic_0001>

<sc_bundles>
// kernel: kernel.4.cloned.1.call-start
scs
__scs_entry_jumppad:
0x0: {  	(pc) =	sbr.rel $0x88, $3  }
0x1: {  	(tag) =	ssettag $0x0;
	lr =	simm.s32 $0x1  }
0x2: {  	[smem:$0x3FA0] =	sst lr;
	_ =	strace $0xD0000000  }
0x3: {  	_ = 	snop  }
0x4: {  	_ = 	snop  }
0x5: {  	_ = 	snop  }
0x6: {  	_ = 	snop  }
0x7: {  	_ = 	snop  }
__scs_overlays_trampoline_lowered:
0x8: {  	[smem:$0x3FAF] =	sst s0  }
0x9: {  	[smem:$0x3FB0] =	sst s1  }
0xa: {  	[smem:$0x3FB1] =	sst s2  }
0xb: {  	[smem:$0x3FB2] =	sst s3  }
0xc: {  	[smem:$0x3FB3] =	sst s4  }
0xd: {  	[smem:$0x3FB4] =	sst s5  }
0xe: {  	[smem:$0x3FB5] =	sst s6  }
0xf: {  	[smem:$0x3FB6] =	sst s7  }
0x10: {  	[smem:$0x3FB7] =	sst s8  }
0x11: {  	[smem:$0x3FB8] =	sst s9;
	s0 =	simm.s32 @!p0 $0x0  }
0x12: {  	s1 =	sld [smem:$0x3F9E];
	s0 =	simm.s32 @p0 $0x1  }
0x13: {  	[smem:$0x3FB9] =	sst s0;
	s0 =	simm.s32 @!p1 $0x0  }
0x14: {  	s2 =	sld [smem:$0x3F9D];
	s0 =	simm.s32 @p1 $0x1  }
0x15: {  	[smem:$0x3FBA] =	sst s0;
	s0 =	simm.s32 @!p2 $0x0  }
0x16: {  	s3 =	sld [smem:$0x3FDB];
	s0 =	simm.s32 @p2 $0x1  }
0x17: {  	s4 =	simm.s32 $0x1BF5;
	[smem:$0x3FBC] =	sst s0  }
0x18: {  	s0 =	sld [smem:$0x3F9F];
	_ =	swait.ge [sflag:s4], $0x0  }
0x19: {  	s7 =	sld [smem:$0x3FA0]  }
0x1a: {  	s8 =	sadd.s32 $0xFFFFE003, lr  }
0x1b: {  	s9 =	sadd.s32 $0xFFFFFEF7, lr;
	s5 =	simm.s32 $0xFFFFFFFF;
	p2 =	slt.u32 s8, $0xFFFFF086  }
0x1c: {  	p1 =	slt.u32 s9, $0xF7A;
	s5 =	simm.s32 @!p2 $0x0  }
0x1d: {  	s5 =	simm.s32 @p1 $0x1;
	p0 =	seq.s32 s7, s2  }
0x1e: {  	s7 =	smul.u32 @!p0 $0xF7A, s2;
	p2 =	seq.s32 @!p0 s5, $0x0  }
0x1f: {  	s9 =	smul.u32 $0xF7A, s1;
	s8 =	simm.s32 @!p0 $0x1BF5;
	p2 =	por !p2, p0  }
0x20: {  	[sflag:s8] =	ssyncset.s32 @!p0 $0xFFFFF086;
	s6 =	sadd.s32 @!p0 s3, s7;
	s7 =	simm.s32 @!p0 $0x108  }
0x21: {  	s3 =	sadd.s32 s3, s9;
	s6 =	sadd.s32 @!p0 $0x88, s6;
	s7 =	simm.s32 @p2 $0x1082  }
0x22: {  	[simem:s7], [sflag:s8] =	dma.local @!p0 [hbm:s6], $0xF7A  }
0x23: {  	s9 =	sor.u32 $0xD0000000, s2;
	s6 =	simm.s32 $0x108;
	_ =	swait.ge @!p0 [sflag:s8], $0x0  }
0x24: {  	s3 =	sadd.s32 $0x88, s3;
	s6 =	simm.s32 @!p1 $0x1082;
	[sflag:s4] =	ssyncset.s32 $0xFFFFF086  }
0x25: {  	[simem:s6], [sflag:s4] =	dma.local [hbm:s3], $0xF7A  }
0x26: {  	[smem:$0x3FA0] =	sst s1;
	(tag) =	ssettag s2;
	_ =	strace s9  }
0x27: {  	s1 =	sld [smem:$0x3FB0]  }
0x28: {  	s2 =	sld [smem:$0x3FB1]  }
0x29: {  	s4 =	sld [smem:$0x3FB3]  }
0x2a: {  	p0 =	seq.s32 s5, $0x0;
	s5 =	sld [smem:$0x3FB4]  }
0x2b: {  	s6 =	sld [smem:$0x3FB5]  }
0x2c: {  	s7 =	sld [smem:$0x3FB6]  }
0x2d: {  	s3 =	simm.s32 $0x108;
	s8 =	sld [smem:$0x3FB7]  }
0x2e: {  	s3 =	simm.s32 @!p0 $0x1082;
	s9 =	sld [smem:$0x3FB8]  }
0x2f: {  	lr =	sadd.s32 s0, s3;
	s0 =	sld [smem:$0x3FAF]  }
0x30: {  	s3 =	sld [smem:$0x3FB2]  }
0x31: {  	[smem:$0x3FBB] =	sst s10  }
0x32: {  	s10 =	sld [smem:$0x3FB9];
	_ =	sdelay $0x3  }
0x33: {  	p0 =	seq.s32 s10, $0x1;
	s10 =	sld [smem:$0x3FBB];
	_ =	sdelay $0x3  }
0x34: {  	[smem:$0x3FBB] =	sst s10  }
0x35: {  	s10 =	sld [smem:$0x3FBA];
	_ =	sdelay $0x3  }
0x36: {  	p1 =	seq.s32 s10, $0x1;
	s10 =	sld [smem:$0x3FBB];
	_ =	sdelay $0x3  }
0x37: {  	[smem:$0x3FBB] =	sst s10  }
0x38: {  	s10 =	sld [smem:$0x3FBC]  }
0x39: {  	_ = 	snop;
	(pc) =	sbr.ind lr, $3  }
0x3a: {  	_ = 	snop  }
0x3b: {  	_ = 	snop  }
0x3c: {  	p2 =	seq.s32 s10, $0x1;
	s10 =	sld [smem:$0x3FBB]  }
0x3d: {  	_ =	shalt  }
0x3e: {  	_ =	shalt  }
0x3f: {  	_ =	shalt  }
0x40: {  	_ =	shalt  }
0x41: {  	_ =	shalt  }
0x42: {  	_ =	shalt  }
0x43: {  	_ =	shalt  }
0x44: {  	_ =	shalt  }
0x45: {  	_ =	shalt  }
0x46: {  	_ =	shalt  }
0x47: {  	_ =	shalt  }
0x48: {  	_ =	shalt  }
0x49: {  	_ =	shalt  }
0x4a: {  	_ =	shalt  }
0x4b: {  	_ =	shalt  }
0x4c: {  	_ =	shalt  }
0x4d: {  	_ =	shalt  }
0x4e: {  	_ =	shalt  }
0x4f: {  	_ =	shalt  }
0x50: {  	_ =	shalt  }
0x51: {  	_ =	shalt  }
0x52: {  	_ =	shalt  }
0x53: {  	_ =	shalt  }
0x54: {  	_ =	shalt  }
0x55: {  	_ =	shalt  }
0x56: {  	_ =	shalt  }
0x57: {  	_ =	shalt  }
0x58: {  	_ =	shalt  }
0x59: {  	_ =	shalt  }
0x5a: {  	_ =	shalt  }
0x5b: {  	_ =	shalt  }
0x5c: {  	_ =	shalt  }
0x5d: {  	_ =	shalt  }
0x5e: {  	_ =	shalt  }
0x5f: {  	_ =	shalt  }
0x60: {  	_ =	shalt  }
0x61: {  	_ =	shalt  }
0x62: {  	_ =	shalt  }
0x63: {  	_ =	shalt  }
0x64: {  	_ =	shalt  }
0x65: {  	_ =	shalt  }
0x66: {  	_ =	shalt  }
0x67: {  	_ =	shalt  }
0x68: {  	_ =	shalt  }
0x69: {  	_ =	shalt  }
0x6a: {  	_ =	shalt  }
0x6b: {  	_ =	shalt  }
0x6c: {  	_ =	shalt  }
0x6d: {  	_ =	shalt  }
0x6e: {  	_ =	shalt  }
0x6f: {  	_ =	shalt  }
0x70: {  	_ =	shalt  }
0x71: {  	_ =	shalt  }
0x72: {  	_ =	shalt  }
0x73: {  	_ =	shalt  }
0x74: {  	_ =	shalt  }
0x75: {  	_ =	shalt  }
0x76: {  	_ =	shalt  }
0x77: {  	_ =	shalt  }
0x78: {  	_ =	shalt  }
0x79: {  	_ =	shalt  }
0x7a: {  	_ =	shalt  }
0x7b: {  	_ =	shalt  }
0x7c: {  	_ =	shalt  }
0x7d: {  	_ =	shalt  }
0x7e: {  	_ =	shalt  }
0x7f: {  	_ =	shalt  }
0x80: {  	_ =	shalt  }
0x81: {  	_ =	shalt  }
0x82: {  	_ =	shalt  }
0x83: {  	_ =	shalt  }
0x84: {  	_ =	shalt  }
0x85: {  	_ =	shalt  }
0x86: {  	_ =	shalt  }
0x87: {  	_ =	shalt  }
.Lfunc_end0:
.L_simem_size_0:
called_computation_lowered:
.L_overlay_start_0:
0x88: {  	s2 =	sld [smem:$0x3FD9]  }
0x89: {  	s3 =	sld [smem:$0x3FFE];
	_ =	sdelay $0x1  }
0x8a: {  	s1 =	srdreg.scid  }
0x8b: {  	s0 =	sand.u32 $0x1, s1  }
0x8c: {  	s14 =	sshll.u32 s0, $0xA;
	s2 =	sadd.s32 s3, s2  }
0x8d: {  	s2 =	sadd.s32 s2, s14  }
0x8e: {  	[smem:$0x3FC7] =	sst s2  }
0x8f: {  	_ = 	snop  }
0x90: {  	s2 =	sld [smem:$0x3FD0];
	_ =	sdelay $0x2  }
0x91: {  	s15 =	simm.s32 $0xA;
	s4 =	simm.s32 $0x10  }
0x92: {  	[smem:s4], [sflag:s15] =	dma.local [hbm:s2], $0x1  }
0x93: {  	_ =	swait.eq [sflag:s15], $0x1  }
0x94: {  	[sflag:s15] =	ssyncset.done $0x0  }
0x95: {  	s16 =	sld [smem:$0x10];
	[sflag:s15] =	ssyncadd.s32 $0xFFFFFFFF  }
0x96: {  	s17 =	sld [smem:$0x11];
	(tm) =	ssettm $0x1  }
0x97: {  	s18 =	sld [smem:$0x3FFB];
	_ =	sdelay $0x3  }
0x98: {  	_ =	strace s18  }
0x99: {  	s4 =	sld [smem:$0x3FFC];
	_ =	sdelay $0x3  }
0x9a: {  	_ =	strace s4  }
0x9b: {  	s4 =	sld [smem:$0x3FFD];
	_ =	sdelay $0x3  }
0x9c: {  	_ =	strace s4  }
0x9d: {  	_ =	strace $0x8FFFFFFF  }
0x9e: {  	s19 =	sld [smem:$0x3FDB];
	_ =	sdelay $0x1  }
0x9f: {  	s5 =	simm.s32 $_scs_section_size  }
0xa0: {  	s6 =	simm.s32 $_size__tile_overlayer_lowered;
	s7 =	simm.s32 $_tile_overlayer_lowered  }
0xa1: {  	s22 =	simm.s32 $0x1BFF;
	s21 =	sshll.u32 s7, $0x1;
	s4 =	sadd.s32 s5, s19  }
0xa2: {  	s8 =	simm.s32 $0x0;
	s20 =	sshll.u32 s6, $0x1;
	s6 =	sadd.s32 s21, s4  }
0xa3: {  	[timem:s8], [sflag:s22] =	dma.local [hbm:s6], s20  }
0xa4: {  	_ =	swait.ge [sflag:s22], s20  }
0xa5: {  	s5 =	ssub.s32 $0x0, s20;
	[sflag:s22] =	ssyncset.done $0x0  }
0xa6: {  	[sflag:s22] =	ssyncadd.s32 s5;
	_ =	sdelay $0x1  }
0xa7: {  	s23 =	simm.s32 $0x1B8B  }
0xa8: {  	_ =	swait.ge [sflag:s23], $0x1  }
0xa9: {  	[sflag:s23] =	ssyncset.done $0x0  }
0xaa: {  	s25 =	simm.s32 $0x1B8E;
	s24 =	sld [smem:$0x3FFE];
	[sflag:s23] =	ssyncadd.s32 $0xFFFFFFFF  }
0xab: {  	s26 =	simm.s32 $execute0_lowered;
	[smem:$0x3FD2] =	sst s25  }
0xac: {  	s6 =	sshll.u32 s26, $0x1;
	_ =	strace $0x80000046;
	[dreg:$0x1] =	wrdreg $0xFFFFFFFF  }
0xad: {  	s28 =	simm.s32 $_size_execute0_lowered;
	s4 =	sadd.s32 s4, s6;
	[dreg:$0x0] =	wrdreg $0x0  }
0xae: {  	s6 =	sshll.u32 s28, $0x1;
	[dreg:$0x2] =	wrdreg s4  }
0xaf: {  	[dreg:$0x3] =	wrdreg s6  }
0xb0: {  	[dreg:$0x4] =	wrdreg $0xC0  }
0xb1: {  	_ =	task [dreg:s8], $0x5FFFF  }
0xb2: {  	[dreg:$0x1] =	wrdreg $0xFFFFFFFF  }
0xb3: {  	[dreg:$0x0] =	wrdreg $0x60  }
0xb4: {  	[dreg:$0x2] =	wrdreg s24  }
0xb5: {  	[dreg:$0x3] =	wrdreg s16  }
0xb6: {  	[dreg:$0x4] =	wrdreg s17  }
0xb7: {  	[dreg:$0x5] =	wrdreg $0x27800  }
0xb8: {  	[dreg:$0x6] =	wrdreg $0x2F800  }
0xb9: {  	[dreg:$0x7] =	wrdreg $0x2F880  }
0xba: {  	[dreg:$0x8] =	wrdreg $0x9  }
0xbb: {  	_ =	task.clear_ibuf [dreg:s8], $0x9FFFF;
	_ =	strace $0x90000046  }
0xbc: {  	s29 =	simm.s32 $0x9;
	_ =	strace $0x80000048  }
0xbd: {  	_ =	swait.ge [sflag:s29], $0x1  }
0xbe: {  	[sflag:s29] =	ssyncadd.s32 $0xFFFFFFFF  }
0xbf: {  	_ =	strace $0x90000048  }
0xc0: {  	_ =	sfence  }
0xc1: {  	s30 =	sld [smem:$0x0];
	_ =	sdelay $0x2  }
0xc2: {  	s31 =	sshll.u32 s1, $0xD;
	s1 =	sshrl.u32 s1, $0x2  }
0xc3: {  	s3 =	sand.u32 $0x4000, s31;
	s1 =	sadd.s32 s1, s30  }
0xc4: {  	s0 =	sor.u32 s3, s0;
	s1 =	sshll.u32 s1, $0x11  }
0xc5: {  	s0 =	sor.u32 s1, s0  }
0xc6: {  	s0 =	sadd.s32 $0x8F2B, s0  }
0xc7: {  	[sflag:s0] =	ssyncadd.remote.s32 $0x1  }
0xc8: {  	_ =	sfence.sel $0xFFFF  }
0xc9: {  	[dreg:$0x0] =	wrdreg $0xFFFFFFFF;
	(pc) =	sbr.abs _section_cstart, $3  }
0xca: {  	[dreg:$0x1] =	wrdreg $0xFFFFFFFF  }
0xcb: {  	_ =	task.clear_ibuf [dreg:s8], $0x2FFFF;
	_ =	strace $0x9FFFFFFF  }
0xcc: {  	(tm) =	ssettm $0x7FFFFFFF  }
0xcd: {  	_ =	shalt  }
tec
execute0_lowered:
.L_overlay_start_1:
0x0: {  	(tag) =	ssettag $0x1  }
0x1: {  	s2 =	rddreg [dreg:$0x0];
	s5 =	srdreg.scid  }
0x2: {  	s4 =	rddreg [dreg:$0x1];
	s5 =	sand.u32 $0x1, s5  }
0x3: {  	s1 =	rddreg [dreg:$0x2];
	p0 =	seq.s32 s5, $0x1  }
.Ltmp0:
0x4: {  	s3 =	rddreg [dreg:$0x3];
	(pc) =	sbr.rel @p0 .LBB2_35-.Ltmp0, $4  }
0x5: {  	s14 =	rddreg [dreg:$0x4]  }
0x6: {  	s15 =	rddreg [dreg:$0x5];
	s0 =	simm.s32 $0x0  }
0x7: {  	[smem:$0x7FF] =	sst s0  }
0x8: {  	s6 =	rddreg [dreg:$0x6];
	s13 =	stileid.u32;
	_ =	strace $0x80000047  }
0x9: {  	s6 =	sshll.u32 s13, $0x7  }
0xa: {  	s20 =	simm.s32 $0x2;
	s5 =	sadd.s32 s2, s6  }
0xb: {  	[tilespmem:s0], [sflag:$0x2] =	stream.linear.gather [hbm4b:s5+s0], $0x400, $0x38;
	[tilespmem:$0x2F90] =	vst v63  }
0xc: {  	_ =	swait.ge [sflag:s20], $0x400  }
0xd: {  	[sflag:s20] =	ssyncset.done $0x0  }
0xe: {  	s7 =	simm.s32 $0x400;
	s4 =	sadd.s32 s4, s6;
	[sflag:s20] =	ssyncadd.s32 $0xFFFFFC00  }
0xf: {  	[tilespmem:s7], [sflag:$0x2] =	stream.linear.gather [hbm4b:s4+s0], $0x400, $0x38;
	[tilespmem:$0x2F90] =	vst v63  }
0x10: {  	s21 =	sshll.u32 s13, $0x1;
	_ =	swait.ge [sflag:s20], $0x400  }
0x11: {  	p0 =	sgt.u32 s13, $0x7;
	s1 =	sadd.s32 s1, s21;
	[sflag:s20] =	ssyncset.done $0x0  }
0x12: {  	s5 =	simm.s32 @!p0 $0x1500;
	s4 =	simm.s32 @!p0 $0x0;
	[sflag:s20] =	ssyncadd.s32 $0xFFFFFC00  }
0x13: {  	[tilespmem:s5], [sflag:$0x2] =	stream.linear.gather @!p0 [hbm4b:s1+s4], $0x10, $0x38;
	[tilespmem:$0x2F90] =	vst v63  }
0x14: {  	s1 =	simm.s32 @!p0 $0x2  }
0x15: {  	_ =	swait.ge @!p0 [sflag:s1], $0x10  }
0x16: {  	[sflag:s1] =	ssyncset.done @!p0 $0x0  }
0x17: {  	v0 =	vimm.s32 $0x0;
	s26 =	sshll.u32 s13, $0xC;
	[sflag:s1] =	ssyncadd.s32 @!p0 $0xFFFFFFF0  }
0x18: {  	s22 =	sshll.u32 s13, $0x8;
	s28 =	sshll.u32 s13, $0x4;
	s29 =	sadd.s32 s26, s3;
	[tilespmem:$0x1400] =	vst v0  }
0x19: {  	s23 =	sand.u32 $0x800, s22;
	s30 =	sadd.s32 s28, s14;
	[dreg:$0x9] =	wrdreg s29;
	[tilespmem:$0x1410] =	vst v0  }
0x1a: {  	s24 =	sand.u32 $0x380, s6;
	s25 =	sadd.s32 s6, s2;
	[dreg:$0xa] =	wrdreg s30;
	[tilespmem:$0x1420] =	vst v0  }
0x1b: {  	s31 =	sadd.s32 s28, s15;
	[dreg:$0x8] =	wrdreg s28;
	s1 =	sadd.s32 s23, s3;
	[tilespmem:$0x1430] =	vst v0  }
0x1c: {  	s2 =	sshll.u32 s13, $0xA;
	[dreg:$0xb] =	wrdreg s31;
	s5 =	sadd.s32 s24, s1;
	[tilespmem:$0x1440] =	vst v0  }
0x1d: {  	[tilespmem:$0x1450] =	vst v0;
	s1 =	sadd.s32 $0x800, s25;
	s6 =	sadd.s32 $0x1000, s5;
	s7 =	sadd.s32 $0x2000, s5  }
0x1e: {  	[tilespmem:$0x1460] =	vst v0;
	s8 =	sadd.s32 $0x3000, s5;
	s9 =	sadd.s32 $0x4000, s5;
	s10 =	sadd.s32 $0x5000, s5  }
0x1f: {  	[tilespmem:$0x1470] =	vst v0;
	s11 =	sadd.s32 $0x6000, s5;
	s12 =	sadd.s32 $0x7000, s5;
	[dreg:$0x7] =	wrdreg s1  }
.LBB2_2:
0x20: {  	p1 =	sne.s32 s0, $0x1FC0  }
.Ltmp1:
0x21: {  	_ = 	snop;
	(pc) =	sbr.rel @p1 .LBB2_2-.Ltmp1, $3  }
0x22: {  	_ =	sdelay $0x1  }
0x23: {  	s1 =	sshra.s32 s0, $0x2  }
0x24: {  	s0 =	sadd.s32 $0x40, s0;
	[tilespmem:s1+$0xC00] =	vst v0  }
.Ltmp2:
0x25: {  	s18 =	simm.s32 $0x0;
	s19 =	simm.s32 $0x1400;
	(pc) =	sbr.rel .LBB2_4-.Ltmp2, $4  }
0x26: {  	s20 =	simm.s32 $0xC00;
	s21 =	simm.s32 $0x80;
	s22 =	simm.s32 $0x400  }
0x27: {  	s23 =	simm.s32 $0xD00;
	s24 =	simm.s32 $0xE00;
	s25 =	simm.s32 $0xF00  }
0x28: {  	s26 =	simm.s32 $0x1000;
	s28 =	simm.s32 $0x1100;
	s29 =	simm.s32 $0x1200  }
0x29: {  	s30 =	simm.s32 $0x1300;
	s31 =	simm.s32 $0x1;
	v0 =	vimm.s32 $0x1;
	v1 =	vimm.s32 $0x0;
	s3 =	simm.s32 $0x2  }
.LBB2_16:
0x2a: {  	s18 =	sadd.s32 $0x1, s18  }
0x2b: {  	p1 =	sne.s32 s18, $0x7  }
.Ltmp3:
0x2c: {  	[bflag:$0x0] =	sbarrier.arrive $0xFFFF;
	(pc) =	sbr.rel @!p1 .LBB2_17-.Ltmp3, $4  }
0x2d: {  	[tilespmem:s19], [sflag:$0x2] =	stream.linear.gather [spmem:s14], $0x80, $0x38;
	[tilespmem:$0x2F90] =	vst v63  }
0x2e: {  	_ =	swait.ge [sflag:s3], $0x80  }
0x2f: {  	[sflag:s3] =	ssyncset.done $0x0  }
0x30: {  	[sflag:s3] =	ssyncadd.s32 $0xFFFFFF80  }
.LBB2_4:
0x31: {  	s0 =	sshll.u32 s18, $0x2  }
0x32: {  	s1 =	ssub.s32 $0x18, s0;
	s0 =	ssub.s32 $0x1C, s0  }
0x33: {  	v2 =	vmov s0;
	v3 =	vmov s1;
	s0 =	simm.s32 $0x0  }
.LBB2_5:
0x34: {  	s1 =	sshra.s32 s0, $0x2  }
0x35: {  	v4 =	vld [tilespmem:s1+$0x400];
	_ =	sdelay $0x5  }
0x36: {  	v5 =	vld [tilespmem:s1+$0x0];
	_ =	sdelay $0x1  }
0x37: {  	v6 =	vld.idx.msk [tilespmem:v4+s19+$0x0], $0xffff;
	_ =	sdelay $0x2  }
0x38: {  	v7 =	vadd.s32 $0xC4000000, v5  }
0x39: {  	vm0 =	vgt.s32 v5, $0xFFFFFFFF;
	v5 =	vshra.s32 v7, v2  }
0x3a: {  	v63 =	vshll.u32 v4, $0x4;
	vm1 =	veq.s32 v5, v6;
	v5 =	vshra.s32 v7, v3  }
0x3b: {  	v4 =	vand.u32 $0xF, v4;
	v6 =	vand.u32 $0xFFFFFF00, v63;
	v5 =	vshll.u32 v5, $0x4  }
0x3c: {  	vm0 =	vmand vm0, vm1;
	v4 =	vor.u32 v4, v6;
	v5 =	vand.u32 $0xF0, v5  }
0x3d: {  	p1 =	sne.s32 s0, $0xFC0;
	v4 =	vor.u32 v5, v4  }
.Ltmp4:
0x3e: {  	_ = 	snop;
	(pc) =	sbr.rel @p1 .LBB2_5-.Ltmp4, $2  }
0x3f: {  	_ =	sdelay $0x2  }
0x40: {  	s0 =	sadd.s32 $0x40, s0;
	[tilespmem:v4+s20+$0x0] =	vst.idx.add.s32.msk vm0, v0  }
0x41: {  	[spmem:s5] =	stream.strided.scatter [tilespmem:s20], [sflag:$0x1], $0x100, s22, s21, $0x38;
	[tilespmem:$0x2F90] =	vst v63  }
0x42: {  	_ = 	snop  }
0x43: {  	[spmem:s6] =	stream.strided.scatter [tilespmem:s23], [sflag:$0x1], $0x100, s22, s21, $0x38;
	[tilespmem:$0x2F90] =	vst v63  }
0x44: {  	_ = 	snop  }
0x45: {  	[spmem:s7] =	stream.strided.scatter [tilespmem:s24], [sflag:$0x1], $0x100, s22, s21, $0x38;
	[tilespmem:$0x2F90] =	vst v63  }
0x46: {  	_ = 	snop  }
0x47: {  	[spmem:s8] =	stream.strided.scatter [tilespmem:s25], [sflag:$0x1], $0x100, s22, s21, $0x38;
	[tilespmem:$0x2F90] =	vst v63  }
0x48: {  	_ = 	snop  }
0x49: {  	[spmem:s9] =	stream.strided.scatter [tilespmem:s26], [sflag:$0x1], $0x100, s22, s21, $0x38;
	[tilespmem:$0x2F90] =	vst v63  }
0x4a: {  	_ = 	snop  }
0x4b: {  	[spmem:s10] =	stream.strided.scatter [tilespmem:s28], [sflag:$0x1], $0x100, s22, s21, $0x38;
	[tilespmem:$0x2F90] =	vst v63  }
0x4c: {  	_ = 	snop  }
0x4d: {  	[spmem:s11] =	stream.strided.scatter [tilespmem:s29], [sflag:$0x1], $0x100, s22, s21, $0x38;
	[tilespmem:$0x2F90] =	vst v63  }
0x4e: {  	_ = 	snop  }
0x4f: {  	[spmem:s12] =	stream.strided.scatter [tilespmem:s30], [sflag:$0x1], $0x100, s22, s21, $0x38;
	[tilespmem:$0x2F90] =	vst v63  }
0x50: {  	_ =	swait.ge [sflag:s31], $0x100  }
0x51: {  	[sflag:s31] =	ssyncset.done $0x0  }
0x52: {  	[sflag:s31] =	ssyncadd.s32 $0xFFFFFF00  }
0x53: {  	_ =	swait.ge [sflag:s31], $0x100  }
0x54: {  	[sflag:s31] =	ssyncset.done $0x0  }
0x55: {  	[sflag:s31] =	ssyncadd.s32 $0xFFFFFF00  }
0x56: {  	_ =	swait.ge [sflag:s31], $0x100  }
0x57: {  	[sflag:s31] =	ssyncset.done $0x0  }
0x58: {  	[sflag:s31] =	ssyncadd.s32 $0xFFFFFF00  }
0x59: {  	_ =	swait.ge [sflag:s31], $0x100  }
0x5a: {  	[sflag:s31] =	ssyncset.done $0x0  }
0x5b: {  	[sflag:s31] =	ssyncadd.s32 $0xFFFFFF00  }
0x5c: {  	_ =	swait.ge [sflag:s31], $0x100  }
0x5d: {  	[sflag:s31] =	ssyncset.done $0x0  }
0x5e: {  	[sflag:s31] =	ssyncadd.s32 $0xFFFFFF00  }
0x5f: {  	_ =	swait.ge [sflag:s31], $0x100  }
0x60: {  	[sflag:s31] =	ssyncset.done $0x0  }
0x61: {  	[sflag:s31] =	ssyncadd.s32 $0xFFFFFF00  }
0x62: {  	_ =	swait.ge [sflag:s31], $0x100  }
0x63: {  	[sflag:s31] =	ssyncset.done $0x0  }
0x64: {  	[sflag:s31] =	ssyncadd.s32 $0xFFFFFF00  }
0x65: {  	_ =	swait.ge [sflag:s31], $0x100  }
0x66: {  	[sflag:s31] =	ssyncset.done $0x0  }
0x67: {  	s0 =	simm.s32 $0x40;
	s1 =	simm.s32 $0x0;
	[sflag:s31] =	ssyncadd.s32 $0xFFFFFF00  }
.LBB2_7:
0x68: {  	p1 =	sne.s32 s0, $0x1FC0;
	[tilespmem:s1+$0xC00] =	vst v1;
	s1 =	smov.u32 s0;
	s0 =	sadd.s32 $0x40, s0  }
.Ltmp5:
0x69: {  	(pc) =	sbr.rel @p1 .LBB2_7-.Ltmp5, $2  }
0x6a: {  	_ =	sdelay $0x2  }
0x6b: {  	s1 =	sshra.s32 s1, $0x2  }
.Ltmp6:
0x6c: {  	(pc) =	sbr.rel @p0 .LBB2_16-.Ltmp6, $3  }
0x6d: {  	_ = 	snop  }
0x6e: {  	[tilespmem:s1+$0xC00] =	vst v1  }
0x6f: {  	[bflag:$0x0] =	sbarrier.arrive $0xFFFF;
	_ =	sdelay $0x1  }
0x70: {  	s0 =	rddreg [dreg:$0x9];
	s1 =	simm.s32 $0x1600  }
0x71: {  	[tilespmem:s1], [sflag:$0x2] =	stream.linear.gather [spmem:s0], $0x1000, $0x38;
	[tilespmem:$0x2F90] =	vst v63  }
0x72: {  	_ =	swait.ge [sflag:s3], $0x1000  }
0x73: {  	[sflag:s3] =	ssyncset.done $0x0  }
0x74: {  	s1 =	simm.s32 $0x0;
	s0 =	simm.s32 $0x0;
	[sflag:s3] =	ssyncadd.s32 $0xFFFFF000  }
.LBB2_10:
0x75: {  	s16 =	sshll.u32 s0, $0x4  }
0x76: {  	s4 =	sand.u32 $0x70, s16  }
0x77: {  	s14 =	sshll.u32 s0, $0x7;
	v2 =	vmov s4  }
0x78: {  	s15 =	sand.u32 $0x400, s14  }
0x79: {  	s17 =	sand.u32 $0x800, s1;
	s4 =	sadd.s32 $0x1600, s15  }
0x7a: {  	s15 =	sand.u32 $0x380, s1;
	s14 =	sadd.s32 s17, s4  }
0x7b: {  	s15 =	sadd.s32 s15, s14  }
0x7c: {  	v4 =	vld.idx.msk [tilespmem:v2+s15+$0x0 ss:$0x1], $0xffff  }
0x7d: {  	v3 =	vimm.s32 $0x0;
	s14 =	simm.s32 $0x100;
	s15 =	simm.s32 $0x80  }
.LBB2_11:
0x7e: {  	s13 =	sand.u32 $0x800, s14;
	p1 =	sne.s32 s14, $0xF00;
	s14 =	sadd.s32 $0x100, s14  }
.Ltmp7:
0x7f: {  	s17 =	sand.u32 $0x380, s15;
	s13 =	sadd.s32 s13, s4;
	(pc) =	sbr.rel @p1 .LBB2_11-.Ltmp7, $3  }
0x80: {  	s13 =	sadd.s32 s17, s13  }
0x81: {  	v3 =	vadd.s32 v3, v4;
	v4 =	vld.idx.msk [tilespmem:v2+s13+$0x0 ss:$0x1], $0xffff;
	_ =	sdelay $0x1  }
0x82: {  	s15 =	sadd.s32 $0x80, s15  }
0x83: {  	s0 =	sadd.s32 $0x1, s0  }
0x84: {  	p1 =	sne.s32 s0, $0x10  }
.Ltmp8:
0x85: {  	_ = 	snop;
	(pc) =	sbr.rel @p1 .LBB2_10-.Ltmp8, $3  }
0x86: {  	_ =	sdelay $0x1  }
0x87: {  	s4 =	sand.u32 $0x3FFFFFF0, s16;
	v2 =	vadd.s32 v3, v4  }
0x88: {  	[tilespmem:s4+$0x2600] =	vst v2  }
0x89: {  	v2 =	vld [tilespmem:$0x2600]  }
0x8a: {  	v3 =	vld [tilespmem:$0x2610]  }
0x8b: {  	v4 =	vld [tilespmem:$0x2620]  }
0x8c: {  	v5 =	vld [tilespmem:$0x2630]  }
0x8d: {  	v6 =	vld [tilespmem:$0x2640]  }
0x8e: {  	v7 =	vld [tilespmem:$0x2650]  }
0x8f: {  	v2 =	vadd.s32 v2, v3;
	v3 =	vld [tilespmem:$0x2660]  }
0x90: {  	v2 =	vadd.s32 v2, v4;
	v4 =	vld [tilespmem:$0x2670]  }
0x91: {  	v2 =	vadd.s32 v2, v5;
	v5 =	vld [tilespmem:$0x2680]  }
0x92: {  	v2 =	vadd.s32 v2, v6;
	v6 =	vld [tilespmem:$0x2690]  }
0x93: {  	v2 =	vadd.s32 v2, v7;
	v7 =	vld [tilespmem:$0x26A0]  }
0x94: {  	v2 =	vadd.s32 v2, v3;
	v3 =	vld [tilespmem:$0x26B0]  }
0x95: {  	v2 =	vadd.s32 v2, v4;
	v4 =	vld [tilespmem:$0x26C0]  }
0x96: {  	v2 =	vadd.s32 v2, v5;
	v5 =	vld [tilespmem:$0x26D0]  }
0x97: {  	v2 =	vadd.s32 v2, v6;
	v6 =	vld [tilespmem:$0x26E0]  }
0x98: {  	v8 =	vld [tilespmem:$0x26F0];
	v7 =	vadd.s32 v2, v7  }
0x99: {  	s0 =	simm.s32 $0x2600;
	v2 =	vld [tilespmem:$0x1500];
	v3 =	vadd.s32 v7, v3  }
0x9a: {  	v7 =	vld [tilespmem:s0+$0x0];
	v3 =	vadd.s32 v3, v4  }
0x9b: {  	v3 =	vadd.s32 v3, v5  }
0x9c: {  	v3 =	vadd.s32 v3, v6  }
0x9d: {  	v4 =	vadd.s32 v3, v8  }
0x9e: {  	v3 =	vimm.s32 $0x0;
	v5 =	vsub.s32 v4, v2  }
0x9f: {  	s15 =	simm.s32 $0x2610;
	v10 =	vadd.s32 v3, v7;
	v6 =	vadd.s32 $0x1, v5  }
0xa0: {  	v5 =	vld [tilespmem:s15+$0x0];
	vm0 =	vge.s32 v10, v6  }
0xa1: {  	v8 =	vsel vm0, $0x1, v1  }
0xa2: {  	s16 =	simm.s32 $0x0;
	v9 =	vsub.s32 v8, v3  }
0xa3: {  	v12 =	vmul.u32 s16, v9;
	v13 =	vmul.u32 v10, v9  }
0xa4: {  	s17 =	rddreg [dreg:$0x8];
	v9 =	vmul.u32 v7, v9  }
0xa5: {  	s1 =	simm.s32 $0x2;
	s0 =	simm.s32 $0x1;
	v7 =	vld [tilespmem:s17+$0x1400];
	s16 =	simm.s32 $0x2620;
	v11 =	vadd.s32 v10, v5;
	v10 =	vadd.s32 v3, v12;
	v12 =	vadd.s32 v3, v13  }
.LBB2_14:
0xa6: {  	v13 =	vld [tilespmem:s16+$0x0];
	p1 =	sne.s32 s1, $0xF;
	vm0 =	vge.s32 v11, v6;
	v3 =	vadd.s32 v3, v9;
	s4 =	smov.u32 s1;
	s1 =	sadd.s32 $0x1, s1  }
.Ltmp9:
0xa7: {  	v9 =	vsel vm0, $0x1, v1;
	(pc) =	sbr.rel @p1 .LBB2_14-.Ltmp9, $3  }
0xa8: {  	v14 =	vsub.s32 v9, v8;
	v8 =	vmov v9  }
0xa9: {  	v15 =	vmul.u32 s0, v14;
	v9 =	vmul.u32 v5, v14;
	v14 =	vmul.u32 v11, v14;
	s0 =	smov.u32 s4;
	_ =	sdelay $0x1  }
0xaa: {  	s16 =	sadd.s32 $0x10, s16;
	v11 =	vadd.s32 v11, v13;
	v10 =	vadd.s32 v10, v15;
	v12 =	vadd.s32 v12, v14;
	v5 =	vmovc v13  }
0xab: {  	vm0 =	vge.s32 v11, v6  }
0xac: {  	v6 =	vsel vm0, $0x1, v1  }
0xad: {  	v6 =	vsub.s32 v6, v8  }
0xae: {  	v8 =	vmul.u32 v11, v6;
	_ =	sdelay $0x1  }
0xaf: {  	v61 =	vmul.u32 s0, v6;
	v8 =	vadd.s32 v12, v8  }
0xb0: {  	v4 =	vsub.s32 v8, v4  }
0xb1: {  	v63 =	vshll.u32 v7, $0x4;
	v62 =	vadd.s32 v10, v61;
	v2 =	vadd.s32 v2, v4  }
0xb2: {  	v4 =	vadd.s32 v63, v62;
	[tilespmem:$0x1500] =	vst v2  }
0xb3: {  	s17 =	rddreg [dreg:$0xa];
	s1 =	simm.s32 $0x1580;
	v5 =	vmul.u32 v5, v6;
	[tilespmem:$0x1580] =	vst v4  }
0xb4: {  	v3 =	vadd.s32 v3, v9;
	[spmem:s17] =	stream.linear.scatter [tilespmem:s1], [sflag:$0x2], $0x10, $0x38;
	[tilespmem:$0x2F90] =	vst v63  }
0xb5: {  	p1 =	sne.s32 s18, $0x6;
	v3 =	vadd.s32 v3, v5;
	_ =	swait.ge [sflag:s3], $0x10  }
0xb6: {  	vm0 =	vlt.s32 @!p1 v2, v3;
	v2 =	vimm.s32 @!p1 $0x0;
	[sflag:s3] =	ssyncset.done $0x0  }
0xb7: {  	v2 =	vsel @!p1 vm0, $0x1, v2;
	[sflag:s3] =	ssyncadd.s32 $0xFFFFFFF0  }
0xb8: {  	s0 =	simm.s32 @!p1 $0x2700;
	s1 =	rddreg [dreg:$0xb];
	[tilespmem:$0x2700] =	vst @!p1 v2  }
0xb9: {  	[spmem:s1] =	stream.linear.scatter @!p1 [tilespmem:s0], [sflag:$0x2], $0x10, $0x38;
	[tilespmem:$0x2F90] =	vst v63  }
.Ltmp10:
0xba: {  	s0 =	simm.s32 @!p1 $0x2;
	(pc) =	sbr.rel .LBB2_16-.Ltmp10, $4  }
0xbb: {  	_ =	swait.ge @!p1 [sflag:s0], $0x10  }
0xbc: {  	[sflag:s0] =	ssyncset.done @!p1 $0x0  }
0xbd: {  	[sflag:s0] =	ssyncadd.s32 @!p1 $0xFFFFFFF0  }
0xbe: {  	s14 =	rddreg [dreg:$0x4]  }
.LBB2_17:
0xbf: {  	v0 =	vld [tilespmem:$0x1400]  }
0xc0: {  	v1 =	vld [tilespmem:$0x1410]  }
0xc1: {  	v2 =	vld [tilespmem:$0x1420]  }
0xc2: {  	v3 =	vld [tilespmem:$0x1430];
	_ =	sdelay $0x1  }
0xc3: {  	[tilespmem:$0x1480] =	vst v0  }
0xc4: {  	[tilespmem:$0x1490] =	vst v1  }
0xc5: {  	[tilespmem:$0x14A0] =	vst v2  }
0xc6: {  	v0 =	vimm.s32 $0x0;
	[tilespmem:$0x14B0] =	vst v3  }
0xc7: {  	[tilespmem:$0x1400] =	vst v0  }
0xc8: {  	v1 =	vld [tilespmem:$0x1440];
	[tilespmem:$0x1410] =	vst v0  }
0xc9: {  	[tilespmem:$0x1420] =	vst v0  }
0xca: {  	v2 =	vld [tilespmem:$0x1450];
	[tilespmem:$0x1430] =	vst v0  }
0xcb: {  	v3 =	vld [tilespmem:$0x1460];
	[tilespmem:$0x1440] =	vst v0  }
0xcc: {  	[tilespmem:$0x1450] =	vst v0  }
0xcd: {  	[tilespmem:$0x14C0] =	vst v1;
	v1 =	vld [tilespmem:$0x1470]  }
0xce: {  	[tilespmem:$0x1460] =	vst v0  }
0xcf: {  	[tilespmem:$0x14D0] =	vst v2  }
0xd0: {  	[tilespmem:$0x14E0] =	vst v3  }
0xd1: {  	[tilespmem:$0x1470] =	vst v0  }
0xd2: {  	s0 =	simm.s32 $0x2600;
	s1 =	rddreg [dreg:$0x5];
	s16 =	simm.s32 $0x2;
	[tilespmem:$0x14F0] =	vst v1  }
0xd3: {  	[tilespmem:s0], [sflag:$0x2] =	stream.linear.gather [spmem:s1], $0x80, $0x38;
	[tilespmem:$0x2F90] =	vst v63  }
0xd4: {  	_ =	swait.ge [sflag:s16], $0x80  }
0xd5: {  	[sflag:s16] =	ssyncset.done $0x0  }
0xd6: {  	[sflag:s16] =	ssyncadd.s32 $0xFFFFFF80  }
0xd7: {  	v1 =	vld [tilespmem:$0x2600]  }
0xd8: {  	v2 =	vld [tilespmem:$0x2610]  }
0xd9: {  	v3 =	vld [tilespmem:$0x2620]  }
0xda: {  	v4 =	vld [tilespmem:$0x2630]  }
0xdb: {  	v5 =	vld [tilespmem:$0x2640]  }
0xdc: {  	v6 =	vld [tilespmem:$0x2650]  }
0xdd: {  	v1 =	vor.u32 v1, v2;
	v2 =	vld [tilespmem:$0x2660]  }
0xde: {  	v1 =	vor.u32 v1, v3;
	v3 =	vld [tilespmem:$0x2670]  }
0xdf: {  	v1 =	vor.u32 v1, v4  }
0xe0: {  	v1 =	vor.u32 v1, v5  }
0xe1: {  	v1 =	vor.u32 v1, v6  }
0xe2: {  	v1 =	vor.u32 v1, v2  }
0xe3: {  	v1 =	vor.u32 v1, v3  }
0xe4: {  	v1 =	vxor.u32 $0x80000000, v1  }
0xe5: {  	(xrf0) =	vmax.scan.msk.u32 $0xffff, v1;
	_ =	sdelay $0x5  }
0xe6: {  	v1, _, _ =	vpop (xrf0)  }
0xe7: {  	(v2sf) =	vpush v1, $0xF;
	_ =	sdelay $0xe  }
0xe8: {  	s31 =	spop (v2sf)  }
0xe9: {  	p1 =	sgt.u32 s31, $0x80000000  }
.Ltmp11:
0xea: {  	_ = 	snop;
	(pc) =	sbr.rel @!p1 .LBB2_36-.Ltmp11, $1  }
0xeb: {  	_ =	sdelay $0x3  }
.Ltmp12:
0xec: {  	s0 =	simm.s32 $0x0;
	s3 =	simm.s32 $0x1480;
	(pc) =	sbr.rel .LBB2_19-.Ltmp12, $4  }
0xed: {  	s17 =	simm.s32 $0x1400;
	s18 =	simm.s32 $0xC00;
	s19 =	simm.s32 $0x80  }
0xee: {  	s20 =	simm.s32 $0x400;
	s13 =	simm.s32 $0xD00;
	s22 =	simm.s32 $0xE00  }
0xef: {  	s23 =	simm.s32 $0xF00;
	s24 =	simm.s32 $0x1000;
	s25 =	simm.s32 $0x1100  }
0xf0: {  	s26 =	simm.s32 $0x1200;
	s28 =	simm.s32 $0x1300;
	v1 =	vlaneseq.u32;
	v2 =	vimm.s32 $0x1;
	s29 =	simm.s32 $0x1  }
.LBB2_31:
0xf1: {  	s0 =	sadd.s32 $0x1, s0  }
0xf2: {  	p1 =	sne.s32 s0, $0x4  }
.Ltmp13:
0xf3: {  	[bflag:$0x0] =	sbarrier.arrive $0xFFFF;
	(pc) =	sbr.rel @!p1 .LBB2_32-.Ltmp13, $4  }
0xf4: {  	[tilespmem:s17], [sflag:$0x2] =	stream.linear.gather [spmem:s14], $0x80, $0x38;
	[tilespmem:$0x2F90] =	vst v63  }
0xf5: {  	_ =	swait.ge [sflag:s16], $0x80  }
0xf6: {  	[sflag:s16] =	ssyncset.done $0x0  }
0xf7: {  	[sflag:s16] =	ssyncadd.s32 $0xFFFFFF80  }
.LBB2_19:
0xf8: {  	s1 =	sshll.u32 s0, $0x2  }
0xf9: {  	s4 =	ssub.s32 $0xC, s1;
	s1 =	ssub.s32 $0x10, s1  }
0xfa: {  	s30 =	simm.s32 $0x0;
	v3 =	vmov s1;
	v4 =	vmov s4;
	s1 =	smov.u32 s2  }
.LBB2_20:
0xfb: {  	s4 =	sshra.s32 s30, $0x2  }
0xfc: {  	v5 =	vld [tilespmem:s4+$0x400];
	_ =	sdelay $0x6  }
0xfd: {  	v6 =	vld [tilespmem:s4+$0x0]  }
0xfe: {  	v7 =	vld.idx.msk [tilespmem:v5+s3+$0x0], $0xffff  }
0xff: {  	v8 =	vld.idx.msk [tilespmem:v5+s17+$0x0], $0xffff;
	_ =	sdelay $0x2  }
0x100: {  	v9 =	vor.u32 s1, v1  }
0x101: {  	v11 =	vshrl.u32 v9, v3;
	v10 =	vadd.s32 $0xC4000000, v6  }
0x102: {  	vm0 =	veq.s32 v10, v7;
	vm1 =	veq.s32 v11, v8;
	v7 =	vshrl.u32 v9, v4  }
0x103: {  	vm2 =	vgt.s32 v6, $0xFFFFFFFF;
	vm0 =	vmand vm0, vm1;
	v6 =	vshll.u32 v7, $0x4  }
0x104: {  	v7 =	vshll.u32 v5, $0x4;
	v5 =	vand.u32 $0xF, v5;
	v6 =	vand.u32 $0xF0, v6  }
0x105: {  	vm0 =	vmand vm0, vm2;
	v7 =	vand.u32 $0xFFFFFF00, v7;
	v5 =	vor.u32 v5, v6  }
0x106: {  	p1 =	sne.s32 s30, $0xFC0;
	v5 =	vor.u32 v7, v5  }
.Ltmp14:
0x107: {  	_ = 	snop;
	(pc) =	sbr.rel @p1 .LBB2_20-.Ltmp14, $2  }
0x108: {  	_ =	sdelay $0x2  }
0x109: {  	s1 =	sadd.s32 $0x10, s1;
	s30 =	sadd.s32 $0x40, s30;
	[tilespmem:v5+s18+$0x0] =	vst.idx.add.s32.msk vm0, v2  }
0x10a: {  	[spmem:s5] =	stream.strided.scatter [tilespmem:s18], [sflag:$0x1], $0x100, s20, s19, $0x38;
	[tilespmem:$0x2F90] =	vst v63  }
0x10b: {  	_ = 	snop  }
0x10c: {  	[spmem:s6] =	stream.strided.scatter [tilespmem:s13], [sflag:$0x1], $0x100, s20, s19, $0x38;
	[tilespmem:$0x2F90] =	vst v63  }
0x10d: {  	_ = 	snop  }
0x10e: {  	[spmem:s7] =	stream.strided.scatter [tilespmem:s22], [sflag:$0x1], $0x100, s20, s19, $0x38;
	[tilespmem:$0x2F90] =	vst v63  }
0x10f: {  	_ = 	snop  }
0x110: {  	[spmem:s8] =	stream.strided.scatter [tilespmem:s23], [sflag:$0x1], $0x100, s20, s19, $0x38;
	[tilespmem:$0x2F90] =	vst v63  }
0x111: {  	_ = 	snop  }
0x112: {  	[spmem:s9] =	stream.strided.scatter [tilespmem:s24], [sflag:$0x1], $0x100, s20, s19, $0x38;
	[tilespmem:$0x2F90] =	vst v63  }
0x113: {  	_ = 	snop  }
0x114: {  	[spmem:s10] =	stream.strided.scatter [tilespmem:s25], [sflag:$0x1], $0x100, s20, s19, $0x38;
	[tilespmem:$0x2F90] =	vst v63  }
0x115: {  	_ = 	snop  }
0x116: {  	[spmem:s11] =	stream.strided.scatter [tilespmem:s26], [sflag:$0x1], $0x100, s20, s19, $0x38;
	[tilespmem:$0x2F90] =	vst v63  }
0x117: {  	_ = 	snop  }
0x118: {  	[spmem:s12] =	stream.strided.scatter [tilespmem:s28], [sflag:$0x1], $0x100, s20, s19, $0x38;
	[tilespmem:$0x2F90] =	vst v63  }
0x119: {  	_ =	swait.ge [sflag:s29], $0x100  }
0x11a: {  	[sflag:s29] =	ssyncset.done $0x0  }
0x11b: {  	[sflag:s29] =	ssyncadd.s32 $0xFFFFFF00  }
0x11c: {  	_ =	swait.ge [sflag:s29], $0x100  }
0x11d: {  	[sflag:s29] =	ssyncset.done $0x0  }
0x11e: {  	[sflag:s29] =	ssyncadd.s32 $0xFFFFFF00  }
0x11f: {  	_ =	swait.ge [sflag:s29], $0x100  }
0x120: {  	[sflag:s29] =	ssyncset.done $0x0  }
0x121: {  	[sflag:s29] =	ssyncadd.s32 $0xFFFFFF00  }
0x122: {  	_ =	swait.ge [sflag:s29], $0x100  }
0x123: {  	[sflag:s29] =	ssyncset.done $0x0  }
0x124: {  	[sflag:s29] =	ssyncadd.s32 $0xFFFFFF00  }
0x125: {  	_ =	swait.ge [sflag:s29], $0x100  }
0x126: {  	[sflag:s29] =	ssyncset.done $0x0  }
0x127: {  	[sflag:s29] =	ssyncadd.s32 $0xFFFFFF00  }
0x128: {  	_ =	swait.ge [sflag:s29], $0x100  }
0x129: {  	[sflag:s29] =	ssyncset.done $0x0  }
0x12a: {  	[sflag:s29] =	ssyncadd.s32 $0xFFFFFF00  }
0x12b: {  	_ =	swait.ge [sflag:s29], $0x100  }
0x12c: {  	[sflag:s29] =	ssyncset.done $0x0  }
0x12d: {  	[sflag:s29] =	ssyncadd.s32 $0xFFFFFF00  }
0x12e: {  	_ =	swait.ge [sflag:s29], $0x100  }
0x12f: {  	[sflag:s29] =	ssyncset.done $0x0  }
0x130: {  	s1 =	simm.s32 $0x40;
	s4 =	simm.s32 $0x0;
	[sflag:s29] =	ssyncadd.s32 $0xFFFFFF00  }
.LBB2_22:
0x131: {  	p1 =	sne.s32 s1, $0x1FC0;
	[tilespmem:s4+$0xC00] =	vst v0;
	s4 =	smov.u32 s1;
	s1 =	sadd.s32 $0x40, s1  }
.Ltmp15:
0x132: {  	(pc) =	sbr.rel @p1 .LBB2_22-.Ltmp15, $2  }
0x133: {  	_ =	sdelay $0x2  }
0x134: {  	s4 =	sshra.s32 s4, $0x2  }
.Ltmp16:
0x135: {  	(pc) =	sbr.rel @p0 .LBB2_31-.Ltmp16, $3  }
0x136: {  	_ = 	snop  }
0x137: {  	[tilespmem:s4+$0xC00] =	vst v0  }
0x138: {  	[bflag:$0x0] =	sbarrier.arrive $0xFFFF;
	_ =	sdelay $0x1  }
0x139: {  	s1 =	rddreg [dreg:$0x9];
	s4 =	simm.s32 $0x1600  }
0x13a: {  	[tilespmem:s4], [sflag:$0x2] =	stream.linear.gather [spmem:s1], $0x1000, $0x38;
	[tilespmem:$0x2F90] =	vst v63  }
0x13b: {  	_ =	swait.ge [sflag:s16], $0x1000  }
0x13c: {  	[sflag:s16] =	ssyncset.done $0x0  }
0x13d: {  	s30 =	simm.s32 $0x0;
	s1 =	simm.s32 $0x0;
	[sflag:s16] =	ssyncadd.s32 $0xFFFFF000  }
.LBB2_25:
0x13e: {  	s31 =	sshll.u32 s30, $0x4  }
0x13f: {  	s4 =	sand.u32 $0x70, s31  }
0x140: {  	s13 =	sshll.u32 s30, $0x7;
	v3 =	vmov s4  }
0x141: {  	s15 =	sand.u32 $0x400, s13  }
0x142: {  	s21 =	sand.u32 $0x800, s1;
	s4 =	sadd.s32 $0x1600, s15  }
0x143: {  	s14 =	sand.u32 $0x380, s1;
	s13 =	sadd.s32 s21, s4  }
0x144: {  	s13 =	sadd.s32 s14, s13  }
0x145: {  	v5 =	vld.idx.msk [tilespmem:v3+s13+$0x0 ss:$0x1], $0xffff  }
0x146: {  	v4 =	vimm.s32 $0x0;
	s15 =	simm.s32 $0x80;
	s14 =	simm.s32 $0x100  }
.LBB2_26:
0x147: {  	s13 =	sand.u32 $0x800, s14;
	p1 =	sne.s32 s14, $0xF00;
	s14 =	sadd.s32 $0x100, s14  }
.Ltmp17:
0x148: {  	s21 =	sand.u32 $0x380, s15;
	s13 =	sadd.s32 s13, s4;
	(pc) =	sbr.rel @p1 .LBB2_26-.Ltmp17, $3  }
0x149: {  	s13 =	sadd.s32 s21, s13  }
0x14a: {  	v4 =	vadd.s32 v4, v5;
	v5 =	vld.idx.msk [tilespmem:v3+s13+$0x0 ss:$0x1], $0xffff;
	_ =	sdelay $0x1  }
0x14b: {  	s15 =	sadd.s32 $0x80, s15  }
0x14c: {  	s30 =	sadd.s32 $0x1, s30  }
0x14d: {  	p1 =	sne.s32 s30, $0x10  }
.Ltmp18:
0x14e: {  	_ = 	snop;
	(pc) =	sbr.rel @p1 .LBB2_25-.Ltmp18, $3  }
0x14f: {  	_ =	sdelay $0x1  }
0x150: {  	s4 =	sand.u32 $0x3FFFFFF0, s31;
	v3 =	vadd.s32 v4, v5  }
0x151: {  	[tilespmem:s4+$0x2600] =	vst v3  }
0x152: {  	s1 =	simm.s32 $0x2600  }
0x153: {  	v5 =	vld [tilespmem:s1+$0x0]  }
0x154: {  	v3 =	vld [tilespmem:$0x1500];
	_ =	sdelay $0x2  }
0x155: {  	v4 =	vimm.s32 $0x0  }
0x156: {  	s14 =	simm.s32 $0x2610;
	v7 =	vadd.s32 v4, v5  }
0x157: {  	v8 =	vld [tilespmem:s14+$0x0];
	vm0 =	vge.s32 v7, v3  }
0x158: {  	v6 =	vsel vm0, $0x1, v0  }
0x159: {  	s15 =	simm.s32 $0x0;
	v9 =	vsub.s32 v6, v4  }
0x15a: {  	v10 =	vmul.u32 s15, v9;
	v12 =	vmul.u32 v7, v9  }
0x15b: {  	s21 =	rddreg [dreg:$0x8];
	v11 =	vmul.u32 v5, v9  }
0x15c: {  	s30 =	simm.s32 $0x2;
	s31 =	simm.s32 $0x2620;
	s1 =	simm.s32 $0x1;
	v5 =	vld [tilespmem:s21+$0x1400];
	v9 =	vadd.s32 v7, v8;
	v7 =	vadd.s32 v4, v10;
	v10 =	vadd.s32 v4, v12  }
.LBB2_29:
0x15d: {  	v12 =	vld [tilespmem:s31+$0x0];
	p1 =	sne.s32 s30, $0xF;
	vm0 =	vge.s32 v9, v3;
	v4 =	vadd.s32 v4, v11;
	s4 =	smov.u32 s30;
	s30 =	sadd.s32 $0x1, s30  }
.Ltmp19:
0x15e: {  	v11 =	vsel vm0, $0x1, v0;
	(pc) =	sbr.rel @p1 .LBB2_29-.Ltmp19, $3  }
0x15f: {  	v13 =	vsub.s32 v11, v6;
	v6 =	vmov v11  }
0x160: {  	v14 =	vmul.u32 s1, v13;
	v11 =	vmul.u32 v8, v13;
	v13 =	vmul.u32 v9, v13;
	s1 =	smov.u32 s4;
	_ =	sdelay $0x1  }
0x161: {  	s31 =	sadd.s32 $0x10, s31;
	v9 =	vadd.s32 v9, v12;
	v7 =	vadd.s32 v7, v14;
	v10 =	vadd.s32 v10, v13;
	v8 =	vmovc v12  }
0x162: {  	vm0 =	vge.s32 v9, v3  }
0x163: {  	v12 =	vsel vm0, $0x1, v0  }
0x164: {  	v6 =	vsub.s32 v12, v6  }
0x165: {  	v8 =	vmul.u32 v8, v6  }
0x166: {  	v4 =	vadd.s32 v4, v11;
	v61 =	vmul.u32 v9, v6  }
0x167: {  	v6 =	vmul.u32 s1, v6;
	v4 =	vadd.s32 v4, v8  }
0x168: {  	v62 =	vadd.s32 v10, v61;
	v3 =	vadd.s32 v3, v4  }
0x169: {  	v5 =	vshll.u32 v5, $0x4;
	v63 =	vadd.s32 v7, v6;
	v3 =	vsub.s32 v3, v62  }
0x16a: {  	[tilespmem:$0x1500] =	vst v3;
	v3 =	vadd.s32 v5, v63  }
0x16b: {  	s31 =	rddreg [dreg:$0xa];
	s4 =	simm.s32 $0x1580;
	[tilespmem:$0x1580] =	vst v3  }
0x16c: {  	[spmem:s31] =	stream.linear.scatter [tilespmem:s4], [sflag:$0x2], $0x10, $0x38;
	[tilespmem:$0x2F90] =	vst v63  }
.Ltmp20:
0x16d: {  	_ = 	snop;
	(pc) =	sbr.rel .LBB2_31-.Ltmp20, $4  }
0x16e: {  	_ =	swait.ge [sflag:s16], $0x10  }
0x16f: {  	[sflag:s16] =	ssyncset.done $0x0  }
0x170: {  	[sflag:s16] =	ssyncadd.s32 $0xFFFFFFF0  }
0x171: {  	s13 =	simm.s32 $0xD00;
	s14 =	rddreg [dreg:$0x4]  }
.LBB2_36:
0x172: {  	v0 =	vimm.s32 $0x100000  }
0x173: {  	[tilespmem:$0x1400] =	vst v0  }
0x174: {  	[tilespmem:$0x1410] =	vst v0  }
0x175: {  	[tilespmem:$0x1420] =	vst v0  }
0x176: {  	[tilespmem:$0x1430] =	vst v0  }
0x177: {  	[tilespmem:$0x1440] =	vst v0  }
0x178: {  	[tilespmem:$0x1450] =	vst v0  }
0x179: {  	[tilespmem:$0x1460] =	vst v0  }
0x17a: {  	[tilespmem:$0x1470] =	vst v0  }
.LBB2_32:
0x17b: {  	s0 =	simm.s32 $0x0  }
0x17c: {  	v0 =	vld [tilespmem:s0+$0x400];
	_ =	sdelay $0x6  }
0x17d: {  	s3 =	simm.s32 $0x1400;
	v3 =	vld [tilespmem:s0+$0x0]  }
0x17e: {  	s5 =	simm.s32 $0x1480;
	v5 =	vld.idx.msk [tilespmem:v0+s3+$0x0], $0xffff  }
0x17f: {  	v4 =	vld.idx.msk [tilespmem:v0+s5+$0x0], $0xffff;
	_ =	sdelay $0x1  }
0x180: {  	s4 =	simm.s32 $0x10  }
0x181: {  	v1 =	vlaneseq.u32;
	s1 =	simm.s32 $0x80;
	v2 =	vld [tilespmem:s4+$0x400];
	v0 =	vimm.s32 $0x0  }
.LBB2_33:
0x182: {  	p0 =	sne.s32 s1, $0xFC0;
	v6 =	vadd.s32 $0xC4000000, v3;
	v7 =	vor.u32 s2, v1  }
0x183: {  	vm0 =	veq.s32 v6, v4;
	vm1 =	vle.s32 v7, v5  }
0x184: {  	vm2 =	vgt.s32 v6, v4;
	vm0 =	vmand vm0, vm1  }
0x185: {  	vm1 =	vgt.s32 v3, $0xFFFFFFFF;
	vm0 =	vmor vm2, vm0  }
0x186: {  	vm0 =	vmand vm1, vm0  }
0x187: {  	v4 =	vsel vm0, $0x1, v0  }
0x188: {  	v3 =	vld [tilespmem:s4+$0x0];
	[tilespmem:s0+$0x800] =	vst v4;
	s0 =	smov.u32 s4  }
0x189: {  	v5 =	vld.idx.msk [tilespmem:v2+s3+$0x0], $0xffff  }
.Ltmp21:
0x18a: {  	v4 =	vld.idx.msk [tilespmem:v2+s5+$0x0], $0xffff;
	(pc) =	sbr.rel @p0 .LBB2_33-.Ltmp21, $3  }
0x18b: {  	_ =	sdelay $0x1  }
0x18c: {  	s4 =	sshra.s32 s1, $0x2  }
0x18d: {  	s2 =	sadd.s32 $0x10, s2;
	s1 =	sadd.s32 $0x40, s1;
	v2 =	vld [tilespmem:s4+$0x400]  }
0x18e: {  	_ = 	snop  }
0x18f: {  	v6 =	vadd.s32 $0xC4000000, v3;
	v7 =	vor.u32 s2, v1  }
0x190: {  	vm0 =	veq.s32 v6, v4;
	vm1 =	vle.s32 v7, v5  }
0x191: {  	vm2 =	vgt.s32 v6, v4;
	vm0 =	vmand vm0, vm1  }
0x192: {  	vm11 =	vgt.s32 v3, $0xFFFFFFFF;
	vm0 =	vmor vm2, vm0  }
0x193: {  	vm0 =	vmand vm11, vm0  }
0x194: {  	v58 =	vsel vm0, $0x1, v0  }
0x195: {  	v59 =	vld [tilespmem:s4+$0x0];
	[tilespmem:s0+$0x800] =	vst v58  }
0x196: {  	v3 =	vld.idx.msk [tilespmem:v2+s3+$0x0], $0xffff  }
0x197: {  	v60 =	vld.idx.msk [tilespmem:v2+s5+$0x0], $0xffff;
	_ =	sdelay $0x2  }
0x198: {  	s28 =	sadd.s32 $0x10, s2  }
0x199: {  	v62 =	vor.u32 s28, v1;
	v61 =	vadd.s32 $0xC4000000, v59  }
0x19a: {  	vm12 =	veq.s32 v61, v60;
	vm13 =	vle.s32 v62, v3  }
0x19b: {  	vm14 =	vgt.s32 v61, v60;
	vm0 =	vmand vm12, vm13  }
0x19c: {  	vm15 =	vgt.s32 v59, $0xFFFFFFFF;
	vm0 =	vmor vm14, vm0  }
0x19d: {  	vm0 =	vmand vm15, vm0  }
0x19e: {  	s29 =	simm.s32 $0x0;
	v63 =	vsel vm0, $0x1, v0  }
0x19f: {  	s1 =	simm.s32 $0x800;
	s30 =	rddreg [dreg:$0x7];
	s31 =	simm.s32 $0x2;
	[tilespmem:s4+$0x800] =	vst v63  }
0x1a0: {  	[hbm4b:s30+s29] =	stream.linear.scatter [tilespmem:s1], [sflag:$0x2], $0x400, $0x38;
	[tilespmem:$0x2F90] =	vst v63  }
0x1a1: {  	_ =	swait.ge [sflag:s31], $0x400  }
0x1a2: {  	[sflag:s31] =	ssyncset.done $0x0  }
0x1a3: {  	[sflag:s31] =	ssyncadd.s32 $0xFFFFFC00  }
0x1a4: {  	s13 =	stileid.u32;
	s6 =	rddreg [dreg:$0x6]  }
.LBB2_35:
0x1a5: {  	_ =	sfence.sel $0x180000  }
0x1a6: {  	[bflag:$0x0] =	sbarrier.arrive $0xFFFF  }
0x1a7: {  	p0 =	sne.s32 s13, $0x0;
	_ =	strace $0x90000047  }
0x1a8: {  	s0 =	sadd.s32 @!p0 $0x100000, s6;
	[bflag:$0x2] =	sbarrier.arrive $0xFFFF  }
0x1a9: {  	[sflag:s0] =	ssyncadd.tile.s32 @!p0 $0x1;
	_ =	shalt  }
.Lfunc_end2:
_tile_overlayer_lowered:
.L_overlay_start_2:
0x1aa: {  	(tag) =	ssettag $0x2  }
0x1ab: {  	s0 =	rddreg [dreg:$0x0];
	s2 =	stileid.u32  }
0x1ac: {  	s1 =	rddreg [dreg:$0x1];
	p0 =	sne.s32 s2, $0x0  }
0x1ad: {  	s3 =	rddreg [dreg:$0x2];
	[bflag:$0x3] =	sbarrier.arrive $0xFFFF;
	s2 =	simm.s32 @!p0 $0x1C02  }
0x1ae: {  	[timem:s3], [sflag:s2] =	dma.local @!p0 [hbm:s0], s1  }
0x1af: {  	s0 =	simm.s32 @!p0 $0x2  }
0x1b0: {  	_ =	swait.ge @!p0 [sflag:s0], s1  }
0x1b1: {  	s1 =	ssub.s32 @!p0 $0x0, s1;
	[sflag:s0] =	ssyncset.done @!p0 $0x0  }
0x1b2: {  	[sflag:s0] =	ssyncadd.s32 @!p0 s1  }
0x1b3: {  	[bflag:$0x3] =	sbarrier.arrive $0xFFFF  }
0x1b4: {  	_ =	shalt  }

</sc_bundles>
